<compile_context>
chip_gen: v7x
topology: tpu7x:2x2x1
jax: 0.10.2.dev20260603
libtpu: 0.0.44.dev20260713+nightly
codegen_flags: <defaults>
</compile_context>

<pallas_src>
import functools

import numpy as np
import jax
import jax.numpy as jnp
from jax.experimental import pallas as pl
from jax.experimental.pallas import tpu as pltpu
from jax.experimental.pallas import tpu_sc as plsc

_E = 128
_K = 4
_RANK = 128
_DIM = 768
_HID = 768
_T = 2048
_N = _T * _E
_PAIRS = _T * _K

_TILE = 64
_MT = 256
_NMAX = _MT * _TILE

_NC = 2
_NS = 16
_NW = _NC * _NS
_PPW = _PAIRS // _NW
_WIN = 64
_NWIN = _PPW // _WIN

_POS = np.float32(0.8) * (np.float32(_N) - np.float32(1.0))
_KLOW = int(np.floor(_POS))
_HIW = np.float32(_POS - np.float32(_KLOW))
_LOW = np.float32(np.float32(1.0) - _HIW)

_PAIR_TOK = np.repeat(np.arange(_T, dtype=np.int32), _K)


def _router_body(x_ref, wrt_ref, br_ref, d_ref, wp_ref, bp_ref,
                 diag_ref, s0_ref, s1_ref, s2_ref, s3_ref,
                 p0_ref, p1_ref, p2_ref, p3_ref, eot_ref):
    x = x_ref[...]
    logits = jnp.dot(x, wrt_ref[...],
                     preferred_element_type=jnp.float32) + br_ref[...]

    ab = jax.lax.bitcast_convert_type(jnp.abs(logits), jnp.int32)

    def bs_body(_, st):
        lo1, hi1 = st
        mid1 = lo1 + ((hi1 - lo1) >> 1)
        c1 = jnp.sum((ab <= mid1).astype(jnp.int32))
        pr1 = c1 >= _KLOW + 1
        return (jnp.where(pr1, lo1, mid1 + 1), jnp.where(pr1, mid1, hi1))

    init = (jnp.int32(0), jnp.int32(0x7F7FFFFF))
    lo1, _ = jax.lax.fori_loop(0, 31, bs_body, init)
    cnt_le = jnp.sum((ab <= lo1).astype(jnp.int32))
    nxt = jnp.min(jnp.where(ab > lo1, ab, jnp.int32(0x7F7FFFFF)))
    lo2 = jnp.where(cnt_le >= _KLOW + 2, lo1, nxt)
    a_low = jax.lax.bitcast_convert_type(lo1, jnp.float32)
    a_high = jax.lax.bitcast_convert_type(lo2, jnp.float32)
    thr = a_low * _LOW + a_high * _HIW
    logits = jnp.where(jnp.abs(logits) < thr, jnp.float32(0.0), logits)

    iota = jax.lax.broadcasted_iota(jnp.int32, (_T, _E), 1)
    work = logits
    vals, hots = [], []
    for _ in range(_K):
        vmax = jnp.max(work, axis=1, keepdims=True)
        sel = jnp.min(jnp.where(work == vmax, iota, _E), axis=1, keepdims=True)
        vals.append(vmax)
        hots.append(iota == sel)
        work = jnp.where(iota == sel, -jnp.inf, work)

    m0 = vals[0]
    exps = [jnp.exp(v - m0) for v in vals]
    denom = exps[0] + exps[1] + exps[2] + exps[3]
    scores = [e / denom for e in exps]
    for s_ref, s in zip((s0_ref, s1_ref, s2_ref, s3_ref), scores):
        s_ref[...] = s

    c = jnp.zeros((_T, _E), jnp.float32)
    mker = jnp.zeros((_T, _E), jnp.float32)
    for k in range(_K):
        c = c + jnp.where(hots[k], scores[k], jnp.float32(0.0))
        mker = mker + jnp.where(hots[k], jnp.float32(1.0), jnp.float32(0.0))

    ssum = scores[0] + scores[1] + scores[2] + scores[3]
    d_mix = jnp.dot(c, d_ref[...], preferred_element_type=jnp.float32)
    diag_ref[...] = (jnp.dot(x * d_mix, wp_ref[...],
                             preferred_element_type=jnp.float32)
                     + ssum * bp_ref[...])

    counts = jnp.sum(mker, axis=0, keepdims=True)
    counts_i = counts.astype(jnp.int32)
    nt = (counts_i + (_TILE - 1)) >> 6
    r_io = jax.lax.broadcasted_iota(jnp.int32, (_E, _E), 0)
    c_io = jax.lax.broadcasted_iota(jnp.int32, (_E, _E), 1)
    slt = (r_io < c_io).astype(jnp.float32)
    toff = jnp.dot(nt.astype(jnp.float32), slt,
                   preferred_element_type=jnp.float32)
    toff_i = toff.astype(jnp.int32)
    ranks_inc = mker
    sft = 1
    while sft < _T:
        shifted = jnp.concatenate(
            [jnp.zeros((sft, _E), jnp.float32), ranks_inc[:_T - sft]], axis=0)
        ranks_inc = ranks_inc + shifted
        sft *= 2
    ranks = ranks_inc - mker
    slot_base = toff * jnp.float32(_TILE) + ranks
    for p_ref, hot in zip((p0_ref, p1_ref, p2_ref, p3_ref), hots):
        pos = jnp.sum(jnp.where(hot, slot_base, jnp.float32(0.0)),
                      axis=1, keepdims=True)
        p_ref[...] = pos.astype(jnp.int32)

    jt = jax.lax.broadcasted_iota(jnp.int32, (_MT, _E), 0)
    lane = jax.lax.broadcasted_iota(jnp.int32, (_MT, _E), 1)
    active = (jt >= toff_i) & (jt < toff_i + nt)
    eot_ref[...] = jnp.sum(jnp.where(active, lane, 0), axis=1, keepdims=True)


def _sc_dispatch_body(x_hbm, tok_hbm, pos_hbm, xg_hbm, tok_v, pos_v, rows_v,
                      sem):
    wid = jax.lax.axis_index("s") * _NC + jax.lax.axis_index("c")
    base = wid * _PPW

    @pl.loop(0, _NWIN)
    def _(w):
        off = base + w * _WIN
        pltpu.sync_copy(tok_hbm.at[pl.ds(off, _WIN)], tok_v)
        pltpu.sync_copy(pos_hbm.at[pl.ds(off, _WIN)], pos_v)
        pltpu.async_copy(x_hbm.at[tok_v], rows_v, sem).wait()
        pltpu.async_copy(rows_v, xg_hbm.at[pos_v], sem).wait()


def _sc_combine_gather_body(po_hbm, pos_hbm, g_hbm, pos_v, rows_v, sem):
    wid = jax.lax.axis_index("s") * _NC + jax.lax.axis_index("c")
    base = wid * _PPW

    @pl.loop(0, _NWIN)
    def _(w):
        off = base + w * _WIN
        pltpu.sync_copy(pos_hbm.at[pl.ds(off, _WIN)], pos_v)
        pltpu.async_copy(po_hbm.at[pos_v], rows_v, sem).wait()
        pltpu.sync_copy(rows_v, g_hbm.at[pl.ds(off, _WIN)])


def _ffn_body(eot_ref, xg_ref, w1_ref, w2_ref, out_ref):
    h = jnp.maximum(
        jnp.dot(xg_ref[...].astype(jnp.bfloat16),
                w1_ref[0].astype(jnp.bfloat16),
                preferred_element_type=jnp.float32), 0.0)
    out_ref[...] = jnp.dot(h.astype(jnp.bfloat16),
                           w2_ref[0].astype(jnp.bfloat16),
                           preferred_element_type=jnp.float32)


_CT = 256


def _combine_body(diag_ref, g_ref, s0_ref, s1_ref, s2_ref, s3_ref, out_ref):
    acc = diag_ref[...]
    for k, s_ref in enumerate((s0_ref, s1_ref, s2_ref, s3_ref)):
        acc = acc + s_ref[...] * g_ref[:, _HID * k:_HID * (k + 1)]
    out_ref[...] = acc


def kernel(x, Wr, br, D, Wp, bp, W1, b1, W2, b2):
    bs, seq, dim = x.shape
    hid = Wp.shape[1]
    xf = x.reshape(-1, dim)

    router_out = pl.pallas_call(
        _router_body,
        out_shape=[
            jax.ShapeDtypeStruct((_T, hid), jnp.float32),
            *[jax.ShapeDtypeStruct((_T, 1), jnp.float32) for _ in range(4)],
            *[jax.ShapeDtypeStruct((_T, 1), jnp.int32) for _ in range(4)],
            jax.ShapeDtypeStruct((_MT, 1), jnp.int32),
        ],
    )(xf, Wr.T, br.reshape(1, _E), D, Wp, bp.reshape(1, hid))
    diag, s0, s1, s2, s3, p0, p1, p2, p3, eot2 = router_out

    pos_flat = jnp.concatenate([p0, p1, p2, p3], axis=1).reshape(_PAIRS)
    pair_tok = jnp.asarray(_PAIR_TOK)
    eot = eot2.reshape(_MT)

    mesh = plsc.VectorSubcoreMesh(core_axis_name="c", subcore_axis_name="s")
    xg = pl.kernel(
        _sc_dispatch_body,
        mesh=mesh,
        out_type=jax.ShapeDtypeStruct((_NMAX, _DIM), jnp.float32),
        scratch_types=[
            pltpu.VMEM((_WIN,), jnp.int32),
            pltpu.VMEM((_WIN,), jnp.int32),
            pltpu.VMEM((_WIN, _DIM), jnp.float32),
            pltpu.SemaphoreType.DMA,
        ],
    )(xf, pair_tok, pos_flat)

    pair_out = pl.pallas_call(
        _ffn_body,
        grid=(_MT,),
        in_specs=[
            pl.BlockSpec(memory_space=pltpu.SMEM),
            pl.BlockSpec((_TILE, _DIM), lambda i: (i, 0)),
            pl.BlockSpec((1, _DIM, _RANK), lambda i: (0, 0, 0)),
            pl.BlockSpec((1, _RANK, _HID), lambda i: (0, 0, 0)),
        ],
        out_specs=pl.BlockSpec((_TILE, _HID), lambda i: (i, 0)),
        out_shape=jax.ShapeDtypeStruct((_NMAX, _HID), jnp.float32),
    )(eot, xg, W1, W2)

    g = pl.kernel(
        _sc_combine_gather_body,
        mesh=mesh,
        out_type=jax.ShapeDtypeStruct((_PAIRS, _HID), jnp.float32),
        scratch_types=[
            pltpu.VMEM((_WIN,), jnp.int32),
            pltpu.VMEM((_WIN, _HID), jnp.float32),
            pltpu.SemaphoreType.DMA,
        ],
    )(pair_out, pos_flat)

    out = pl.pallas_call(
        _combine_body,
        grid=(_T // _CT,),
        in_specs=[
            pl.BlockSpec((_CT, _HID), lambda i: (i, 0)),
            pl.BlockSpec((_CT, _K * _HID), lambda i: (i, 0)),
            *[pl.BlockSpec((_CT, 1), lambda i: (i, 0)) for _ in range(4)],
        ],
        out_specs=pl.BlockSpec((_CT, _HID), lambda i: (i, 0)),
        compiler_params=pltpu.CompilerParams(
            dimension_semantics=("parallel",)),
        out_shape=jax.ShapeDtypeStruct((_T, hid), jnp.float32),
    )(diag, g.reshape(_T, _K * _HID), s0, s1, s2, s3)

    return out.reshape(bs, seq, hid)

# --- scband reference (transcript-rebuilt; emitter-appended) ---
"""Pipeline reference for scband-mo-e-68839735821022 (READ-ONLY COPY).

The authoritative reference and input builder live on the scoring server;
editing this copy changes nothing except your own understanding.
"""

import jax, jax.numpy as jnp
import numpy as np

E = 128
K = 4
RANK = 128
DIM = 768
HID = 768

def setup_inputs(seed: int = 0):
    key = jax.random.key(seed)
    ks = jax.random.split(key, 8)
    x = jax.random.normal(ks[0], (1, 2048, DIM), dtype=jnp.float32)
    Wr = jax.random.normal(ks[1], (E, DIM), dtype=jnp.float32) * (1.0 / np.sqrt(DIM))
    br = jnp.zeros((E,), jnp.float32)
    D = jax.random.normal(ks[2], (E, DIM), dtype=jnp.float32)
    Wp = jax.random.normal(ks[3], (DIM, HID), dtype=jnp.float32) * (1.0 / np.sqrt(DIM))
    bp = jnp.zeros((HID,), jnp.float32)
    W1 = jax.random.normal(ks[4], (E, DIM, RANK), dtype=jnp.float32) * (1.0 / np.sqrt(DIM))
    b1 = jnp.zeros((E, RANK), jnp.float32)
    W2 = jax.random.normal(ks[5], (E, RANK, HID), dtype=jnp.float32) * (1.0 / np.sqrt(RANK))
    b2 = jnp.zeros((E, HID), jnp.float32)
    return {"x": x, "Wr": Wr, "br": br, "D": D, "Wp": Wp, "bp": bp, "W1": W1, "b1": b1, "W2": W2, "b2": b2}

def reference(x, Wr, br, D, Wp, bp, W1, b1, W2, b2):
    bs, seq, dim = x.shape
    hid = Wp.shape[1]
    xf = x.reshape(-1, dim)
    T = xf.shape[0]
    # router (QuantStub/DeQuantStub are identity in fp eval mode)
    logits = xf @ Wr.T + br
    thr = jnp.quantile(jnp.abs(logits), 0.8)
    logits = jnp.where(jnp.abs(logits) < thr, 0.0, logits)
    vals, idx = jax.lax.top_k(logits, K)
    scores = jax.nn.softmax(vals, axis=-1)
    # combine weights c[t, e] = sum of top-k scores routed to expert e (scatter-add)
    c = jnp.zeros((T, E), x.dtype).at[jnp.arange(T)[:, None], idx].add(scores)
    # diagonal path is linear in the expert mixture:
    #   sum_e c_e * (Wp @ (x * D_e) + bp) = Wp @ (x * (c @ D)) + (sum_e c_e) * bp
    d_mix = c @ D
    diag_out = (xf * d_mix) @ Wp + jnp.sum(c, axis=-1, keepdims=True) * bp
    # low-rank expert path (nonlinear; computed densely, weighted by combine weights,
    # which zeros out exactly the tokens not routed to each expert -> same math)
    h1 = jax.nn.relu(jnp.einsum('td,edr->ter', xf, W1) + b1[None, :, :])
    h1w = h1 * c[:, :, None]
    lora_out = jnp.einsum('ter,erh->th', h1w, W2) + c @ b2
    out = diag_out + lora_out
    return out.reshape(bs, seq, hid)

if __name__ == "__main__":
    import jax
    _d = setup_inputs()
    print(jax.jit(kernel)(*tuple(_d.values())))

</pallas_src>

<mosaic_0001>
#map = affine_map<(d0, d1) -> (0, 0)>
#map1 = affine_map<(d0, d1) -> (0)>
module attributes {stable_mosaic.version = 14 : i64} {
  func.func @_sc_combine_gather_body(%arg0: i32, %arg1: i32, %arg2: memref<16384x768xf32, #tpu.memory_space<hbm>>, %arg3: memref<8192xi32, #tpu.memory_space<hbm>>, %arg4: memref<8192x768xf32, #tpu.memory_space<hbm>>, %arg5: memref<64xi32, #tpu.memory_space<vmem>>, %arg6: memref<64x768xf32, #tpu.memory_space<vmem>>, %arg7: memref<!tpu.dma_semaphore, #tpu.memory_space<semaphore_mem>>) attributes {dimension_semantics = [#tpu.dimension_semantics<core_parallel>, #tpu.dimension_semantics<subcore_parallel>], iteration_bounds = array<i64: 2, 16>, scalar_prefetch = 0 : i64, scratch_operands = 3 : i64, tpu.core_type = #tpu.core_type<sc_vector_subcore>, window_params = [{transform_indices = #map}, {transform_indices = #map1}, {transform_indices = #map}]} {
    %mul3A = arith.constant 2 : i32
    %mul3A_0 = arith.muli %arg1, %mul3A : i32
    %add3A = arith.addi %mul3A_0, %arg0 : i32
    %mul3A_1 = arith.constant 256 : i32
    %mul3A_2 = arith.muli %add3A, %mul3A_1 : i32
    %scan3A = arith.constant 0 : i32
    %scan3A_3 = arith.constant 4 : i32
    %scan3A_4 = arith.addi %scan3A, %scan3A_3 : i32
    %scan3A_5 = arith.constant 1 : i32
    scf.for %scan3A_7 = %scan3A to %scan3A_4 step %scan3A_5  : i32 {
      %mul3A_8 = arith.constant 1 : i32
      %mul3A_9 = arith.muli %scan3A_7, %mul3A_8 : i32
      %add3A_10 = arith.constant 0 : i32
      %add3A_11 = arith.addi %add3A_10, %mul3A_9 : i32
      %mul3A_12 = arith.constant 64 : i32
      %mul3A_13 = arith.muli %add3A_11, %mul3A_12 : i32
      %add3A_14 = arith.addi %mul3A_2, %mul3A_13 : i32
      "tpu.region"() ({
        %run_scoped3A = tpu.sem_alloc : memref<!tpu.dma_semaphore, #tpu.memory_space<semaphore_mem>>
        %dma_start3A_19 = tpu.memref_slice %arg3[%add3A_14] : memref<8192xi32, #tpu.memory_space<hbm>> -> memref<64xi32, #tpu.memory_space<hbm>>
        %dma_start3A_20 = tpu.memref_slice %arg3[%add3A_14] : memref<8192xi32, #tpu.memory_space<hbm>> -> memref<64xi32, #tpu.memory_space<hbm>>
        tpu.enqueue_dma source(%dma_start3A_20 : memref<64xi32, #tpu.memory_space<hbm>>) target(%arg5 : memref<64xi32, #tpu.memory_space<vmem>>) target_semaphore(%run_scoped3A : memref<!tpu.dma_semaphore, #tpu.memory_space<semaphore_mem>>)
        %dma_wait3A_21 = tpu.memref_slice %arg3[%add3A_14] : memref<8192xi32, #tpu.memory_space<hbm>> -> memref<64xi32, #tpu.memory_space<hbm>>
        %dma_wait3A_22 = tpu.memref_slice %arg3[%add3A_14] : memref<8192xi32, #tpu.memory_space<hbm>> -> memref<64xi32, #tpu.memory_space<hbm>>
        tpu.wait_dma2 semaphore(%run_scoped3A : memref<!tpu.dma_semaphore, #tpu.memory_space<semaphore_mem>>) src(%dma_wait3A_22 : memref<64xi32, #tpu.memory_space<hbm>>) dst(%arg5 : memref<64xi32, #tpu.memory_space<vmem>>)
        tpu.yield
      }) : () -> ()
      %dma_start3A = arith.constant 0 : i32
      %dma_start3A_15 = arith.constant 0 : i32
      %dma_start3A_16 = tpu.memref_slice %arg2[%dma_start3A, %dma_start3A_15] : memref<16384x768xf32, #tpu.memory_space<hbm>> -> memref<16384x768xf32, #tpu.memory_space<hbm>>
      tpu.enqueue_indirect_dma source(%dma_start3A_16 : memref<16384x768xf32, #tpu.memory_space<hbm>>) target(%arg6 : memref<64x768xf32, #tpu.memory_space<vmem>>) offsets(%arg5 : memref<64xi32, #tpu.memory_space<vmem>>) semaphore(%arg7 : memref<!tpu.dma_semaphore, #tpu.memory_space<semaphore_mem>>)
      %dma_wait3A = arith.constant 0 : i32
      %dma_wait3A_17 = arith.constant 0 : i32
      %dma_wait3A_18 = tpu.memref_slice %arg2[%dma_wait3A, %dma_wait3A_17] : memref<16384x768xf32, #tpu.memory_space<hbm>> -> memref<16384x768xf32, #tpu.memory_space<hbm>>
      tpu.wait_indirect_dma semaphore(%arg7 : memref<!tpu.dma_semaphore, #tpu.memory_space<semaphore_mem>>) src(%dma_wait3A_18 : memref<16384x768xf32, #tpu.memory_space<hbm>>) dst(%arg6 : memref<64x768xf32, #tpu.memory_space<vmem>>)
      "tpu.region"() ({
        %run_scoped3A = tpu.sem_alloc : memref<!tpu.dma_semaphore, #tpu.memory_space<semaphore_mem>>
        %dma_start3A_19 = arith.constant 0 : i32
        %dma_start3A_20 = tpu.memref_slice %arg4[%add3A_14, %dma_start3A_19] : memref<8192x768xf32, #tpu.memory_space<hbm>> -> memref<64x768xf32, #tpu.memory_space<hbm>>
        %dma_start3A_21 = arith.constant 0 : i32
        %dma_start3A_22 = tpu.memref_slice %arg4[%add3A_14, %dma_start3A_21] : memref<8192x768xf32, #tpu.memory_space<hbm>> -> memref<64x768xf32, #tpu.memory_space<hbm>>
        tpu.enqueue_dma source(%arg6 : memref<64x768xf32, #tpu.memory_space<vmem>>) target(%dma_start3A_22 : memref<64x768xf32, #tpu.memory_space<hbm>>) target_semaphore(%run_scoped3A : memref<!tpu.dma_semaphore, #tpu.memory_space<semaphore_mem>>)
        %dma_wait3A_23 = arith.constant 0 : i32
        %dma_wait3A_24 = tpu.memref_slice %arg4[%add3A_14, %dma_wait3A_23] : memref<8192x768xf32, #tpu.memory_space<hbm>> -> memref<64x768xf32, #tpu.memory_space<hbm>>
        %dma_wait3A_25 = arith.constant 0 : i32
        %dma_wait3A_26 = tpu.memref_slice %arg4[%add3A_14, %dma_wait3A_25] : memref<8192x768xf32, #tpu.memory_space<hbm>> -> memref<64x768xf32, #tpu.memory_space<hbm>>
        tpu.wait_dma2 semaphore(%run_scoped3A : memref<!tpu.dma_semaphore, #tpu.memory_space<semaphore_mem>>) src(%arg6 : memref<64x768xf32, #tpu.memory_space<vmem>>) dst(%dma_wait3A_26 : memref<64x768xf32, #tpu.memory_space<hbm>>)
        tpu.yield
      }) : () -> ()
    }
    %scan3A_6 = arith.constant 4 : i32
    return
  }
}

#map = affine_map<(d0, d1) -> (0, 0)>
#map1 = affine_map<(d0, d1) -> (0)>
module attributes {stable_mosaic.version = 14 : i64} {
  func.func @_sc_dispatch_body(%arg0: i32, %arg1: i32, %arg2: memref<2048x768xf32, #tpu.memory_space<hbm>>, %arg3: memref<8192xi32, #tpu.memory_space<hbm>>, %arg4: memref<8192xi32, #tpu.memory_space<hbm>>, %arg5: memref<16384x768xf32, #tpu.memory_space<hbm>>, %arg6: memref<64xi32, #tpu.memory_space<vmem>>, %arg7: memref<64xi32, #tpu.memory_space<vmem>>, %arg8: memref<64x768xf32, #tpu.memory_space<vmem>>, %arg9: memref<!tpu.dma_semaphore, #tpu.memory_space<semaphore_mem>>) attributes {dimension_semantics = [#tpu.dimension_semantics<core_parallel>, #tpu.dimension_semantics<subcore_parallel>], iteration_bounds = array<i64: 2, 16>, scalar_prefetch = 0 : i64, scratch_operands = 4 : i64, tpu.core_type = #tpu.core_type<sc_vector_subcore>, window_params = [{transform_indices = #map}, {transform_indices = #map1}, {transform_indices = #map1}, {transform_indices = #map}]} {
    %mul3A = arith.constant 2 : i32
    %mul3A_0 = arith.muli %arg1, %mul3A : i32
    %add3A = arith.addi %mul3A_0, %arg0 : i32
    %mul3A_1 = arith.constant 256 : i32
    %mul3A_2 = arith.muli %add3A, %mul3A_1 : i32
    %scan3A = arith.constant 0 : i32
    %scan3A_3 = arith.constant 4 : i32
    %scan3A_4 = arith.addi %scan3A, %scan3A_3 : i32
    %scan3A_5 = arith.constant 1 : i32
    scf.for %scan3A_7 = %scan3A to %scan3A_4 step %scan3A_5  : i32 {
      %mul3A_8 = arith.constant 1 : i32
      %mul3A_9 = arith.muli %scan3A_7, %mul3A_8 : i32
      %add3A_10 = arith.constant 0 : i32
      %add3A_11 = arith.addi %add3A_10, %mul3A_9 : i32
      %mul3A_12 = arith.constant 64 : i32
      %mul3A_13 = arith.muli %add3A_11, %mul3A_12 : i32
      %add3A_14 = arith.addi %mul3A_2, %mul3A_13 : i32
      "tpu.region"() ({
        %run_scoped3A = tpu.sem_alloc : memref<!tpu.dma_semaphore, #tpu.memory_space<semaphore_mem>>
        %dma_start3A_25 = tpu.memref_slice %arg3[%add3A_14] : memref<8192xi32, #tpu.memory_space<hbm>> -> memref<64xi32, #tpu.memory_space<hbm>>
        %dma_start3A_26 = tpu.memref_slice %arg3[%add3A_14] : memref<8192xi32, #tpu.memory_space<hbm>> -> memref<64xi32, #tpu.memory_space<hbm>>
        tpu.enqueue_dma source(%dma_start3A_26 : memref<64xi32, #tpu.memory_space<hbm>>) target(%arg6 : memref<64xi32, #tpu.memory_space<vmem>>) target_semaphore(%run_scoped3A : memref<!tpu.dma_semaphore, #tpu.memory_space<semaphore_mem>>)
        %dma_wait3A_27 = tpu.memref_slice %arg3[%add3A_14] : memref<8192xi32, #tpu.memory_space<hbm>> -> memref<64xi32, #tpu.memory_space<hbm>>
        %dma_wait3A_28 = tpu.memref_slice %arg3[%add3A_14] : memref<8192xi32, #tpu.memory_space<hbm>> -> memref<64xi32, #tpu.memory_space<hbm>>
        tpu.wait_dma2 semaphore(%run_scoped3A : memref<!tpu.dma_semaphore, #tpu.memory_space<semaphore_mem>>) src(%dma_wait3A_28 : memref<64xi32, #tpu.memory_space<hbm>>) dst(%arg6 : memref<64xi32, #tpu.memory_space<vmem>>)
        tpu.yield
      }) : () -> ()
      "tpu.region"() ({
        %run_scoped3A = tpu.sem_alloc : memref<!tpu.dma_semaphore, #tpu.memory_space<semaphore_mem>>
        %dma_start3A_25 = tpu.memref_slice %arg4[%add3A_14] : memref<8192xi32, #tpu.memory_space<hbm>> -> memref<64xi32, #tpu.memory_space<hbm>>
        %dma_start3A_26 = tpu.memref_slice %arg4[%add3A_14] : memref<8192xi32, #tpu.memory_space<hbm>> -> memref<64xi32, #tpu.memory_space<hbm>>
        tpu.enqueue_dma source(%dma_start3A_26 : memref<64xi32, #tpu.memory_space<hbm>>) target(%arg7 : memref<64xi32, #tpu.memory_space<vmem>>) target_semaphore(%run_scoped3A : memref<!tpu.dma_semaphore, #tpu.memory_space<semaphore_mem>>)
        %dma_wait3A_27 = tpu.memref_slice %arg4[%add3A_14] : memref<8192xi32, #tpu.memory_space<hbm>> -> memref<64xi32, #tpu.memory_space<hbm>>
        %dma_wait3A_28 = tpu.memref_slice %arg4[%add3A_14] : memref<8192xi32, #tpu.memory_space<hbm>> -> memref<64xi32, #tpu.memory_space<hbm>>
        tpu.wait_dma2 semaphore(%run_scoped3A : memref<!tpu.dma_semaphore, #tpu.memory_space<semaphore_mem>>) src(%dma_wait3A_28 : memref<64xi32, #tpu.memory_space<hbm>>) dst(%arg7 : memref<64xi32, #tpu.memory_space<vmem>>)
        tpu.yield
      }) : () -> ()
      %dma_start3A = arith.constant 0 : i32
      %dma_start3A_15 = arith.constant 0 : i32
      %dma_start3A_16 = tpu.memref_slice %arg2[%dma_start3A, %dma_start3A_15] : memref<2048x768xf32, #tpu.memory_space<hbm>> -> memref<2048x768xf32, #tpu.memory_space<hbm>>
      tpu.enqueue_indirect_dma source(%dma_start3A_16 : memref<2048x768xf32, #tpu.memory_space<hbm>>) target(%arg8 : memref<64x768xf32, #tpu.memory_space<vmem>>) offsets(%arg6 : memref<64xi32, #tpu.memory_space<vmem>>) semaphore(%arg9 : memref<!tpu.dma_semaphore, #tpu.memory_space<semaphore_mem>>)
      %dma_wait3A = arith.constant 0 : i32
      %dma_wait3A_17 = arith.constant 0 : i32
      %dma_wait3A_18 = tpu.memref_slice %arg2[%dma_wait3A, %dma_wait3A_17] : memref<2048x768xf32, #tpu.memory_space<hbm>> -> memref<2048x768xf32, #tpu.memory_space<hbm>>
      tpu.wait_indirect_dma semaphore(%arg9 : memref<!tpu.dma_semaphore, #tpu.memory_space<semaphore_mem>>) src(%dma_wait3A_18 : memref<2048x768xf32, #tpu.memory_space<hbm>>) dst(%arg8 : memref<64x768xf32, #tpu.memory_space<vmem>>)
      %dma_start3A_19 = arith.constant 0 : i32
      %dma_start3A_20 = arith.constant 0 : i32
      %dma_start3A_21 = tpu.memref_slice %arg5[%dma_start3A_19, %dma_start3A_20] : memref<16384x768xf32, #tpu.memory_space<hbm>> -> memref<16384x768xf32, #tpu.memory_space<hbm>>
      tpu.enqueue_indirect_dma source(%arg8 : memref<64x768xf32, #tpu.memory_space<vmem>>) target(%dma_start3A_21 : memref<16384x768xf32, #tpu.memory_space<hbm>>) offsets(%arg7 : memref<64xi32, #tpu.memory_space<vmem>>) semaphore(%arg9 : memref<!tpu.dma_semaphore, #tpu.memory_space<semaphore_mem>>)
      %dma_wait3A_22 = arith.constant 0 : i32
      %dma_wait3A_23 = arith.constant 0 : i32
      %dma_wait3A_24 = tpu.memref_slice %arg5[%dma_wait3A_22, %dma_wait3A_23] : memref<16384x768xf32, #tpu.memory_space<hbm>> -> memref<16384x768xf32, #tpu.memory_space<hbm>>
      tpu.wait_indirect_dma semaphore(%arg9 : memref<!tpu.dma_semaphore, #tpu.memory_space<semaphore_mem>>) src(%arg8 : memref<64x768xf32, #tpu.memory_space<vmem>>) dst(%dma_wait3A_24 : memref<16384x768xf32, #tpu.memory_space<hbm>>)
    }
    %scan3A_6 = arith.constant 4 : i32
    return
  }
}

module attributes {stable_mosaic.version = 14 : i64} {
  func.func @_router_body(%arg0: memref<2048x768xf32, #tpu.memory_space<vmem>>, %arg1: memref<768x128xf32, #tpu.memory_space<vmem>>, %arg2: memref<1x128xf32, #tpu.memory_space<vmem>>, %arg3: memref<128x768xf32, #tpu.memory_space<vmem>>, %arg4: memref<768x768xf32, #tpu.memory_space<vmem>>, %arg5: memref<1x768xf32, #tpu.memory_space<vmem>>, %arg6: memref<2048x768xf32, #tpu.memory_space<vmem>>, %arg7: memref<2048x1xf32, #tpu.memory_space<vmem>>, %arg8: memref<2048x1xf32, #tpu.memory_space<vmem>>, %arg9: memref<2048x1xf32, #tpu.memory_space<vmem>>, %arg10: memref<2048x1xf32, #tpu.memory_space<vmem>>, %arg11: memref<2048x1xi32, #tpu.memory_space<vmem>>, %arg12: memref<2048x1xi32, #tpu.memory_space<vmem>>, %arg13: memref<2048x1xi32, #tpu.memory_space<vmem>>, %arg14: memref<2048x1xi32, #tpu.memory_space<vmem>>, %arg15: memref<256x1xi32, #tpu.memory_space<vmem>>) attributes {dimension_semantics = [], scalar_prefetch = 0 : i64, scratch_operands = 0 : i64, tpu.core_type = #tpu.core_type<tc>} {
    %get3A = arith.constant 0 : index
    %get3A_0 = arith.constant 0 : index
    %get3A_1 = vector.load %arg0[%get3A, %get3A_0] : memref<2048x768xf32, #tpu.memory_space<vmem>>, vector<2048x768xf32>
    %get3A_2 = arith.constant 0 : index
    %get3A_3 = arith.constant 0 : index
    %get3A_4 = vector.load %arg1[%get3A_2, %get3A_3] : memref<768x128xf32, #tpu.memory_space<vmem>>, vector<768x128xf32>
    %dot_general3A = arith.constant dense<0.000000e+00> : vector<2048x128xf32>
    %dot_general3A_5 = tpu.matmul %get3A_1, %get3A_4, %dot_general3A {dimension_numbers = #tpu.dot_dimension_numbers<[1], [0], [0], [1], [0, 0, 1, 1], [], []>, transpose_lhs_hint = false} : vector<2048x768xf32>, vector<768x128xf32>, vector<2048x128xf32> -> vector<2048x128xf32>
    %get3A_6 = arith.constant 0 : index
    %get3A_7 = arith.constant 0 : index
    %get3A_8 = vector.load %arg2[%get3A_6, %get3A_7] : memref<1x128xf32, #tpu.memory_space<vmem>>, vector<1x128xf32>
    %add3A = vector.broadcast %get3A_8 : vector<1x128xf32> to vector<2048x128xf32>
    %add3A_9 = arith.addf %dot_general3A_5, %add3A : vector<2048x128xf32>
    %abs3A = math.absf %add3A_9 : vector<2048x128xf32>
    %bitcast_convert_type3A = tpu.bitcast %abs3A : vector<2048x128xf32> -> vector<2048x128xi32>
    %scan3A = arith.constant 0 : i32
    %scan3A_10 = arith.constant 2139095039 : i32
    %scan3A_11 = arith.constant 0 : i32
    %scan3A_12 = arith.constant 31 : i32
    %scan3A_13 = arith.addi %scan3A_11, %scan3A_12 : i32
    %scan3A_14 = arith.constant 1 : i32
    %scan3A_15:2 = scf.for %scan3A_336 = %scan3A_11 to %scan3A_13 step %scan3A_14 iter_args(%scan3A_337 = %scan3A, %scan3A_338 = %scan3A_10) -> (i32, i32)  : i32 {
      %sub3A_339 = arith.subi %scan3A_338, %scan3A_337 : i32
      %shift_right_arithmetic3A_340 = arith.constant 1 : i32
      %shift_right_arithmetic3A_341 = arith.shrsi %sub3A_339, %shift_right_arithmetic3A_340 : i32
      %add3A_342 = arith.addi %scan3A_337, %shift_right_arithmetic3A_341 : i32
      %le3A_343 = vector.broadcast %add3A_342 : i32 to vector<2048x128xi32>
      %le3A_344 = arith.cmpi sle, %bitcast_convert_type3A, %le3A_343 : vector<2048x128xi32>
      %convert_element_type3A_345 = arith.extui %le3A_344 : vector<2048x128xi1> to vector<2048x128xi32>
      %reduce_sum3A_346 = vector.shape_cast %convert_element_type3A_345 : vector<2048x128xi32> to vector<1x2048x128xi32>
      %reduce_sum3A_347 = arith.constant dense<0> : vector<1xi32>
      %reduce_sum3A_348 = vector.multi_reduction <add>, %reduce_sum3A_346, %reduce_sum3A_347 [1, 2] : vector<1x2048x128xi32> to vector<1xi32>
      %reduce_sum3A_349 = vector.shape_cast %reduce_sum3A_348 : vector<1xi32> to vector<1x1x1xi32>
      %reduce_sum3A_350 = vector.extract %reduce_sum3A_349[0, 0, 0] : i32 from vector<1x1x1xi32>
      %ge3A_351 = arith.constant 209715 : i32
      %ge3A_352 = arith.cmpi sge, %reduce_sum3A_350, %ge3A_351 : i32
      %add3A_353 = arith.constant 1 : i32
      %add3A_354 = arith.addi %add3A_342, %add3A_353 : i32
      %select_n3A_355 = arith.select %ge3A_352, %scan3A_337, %add3A_354 : i32
      %select_n3A_356 = arith.select %ge3A_352, %add3A_342, %scan3A_338 : i32
      scf.yield %select_n3A_355, %select_n3A_356 : i32, i32
    }
    %le3A = vector.broadcast %scan3A_15#0 : i32 to vector<2048x128xi32>
    %le3A_16 = arith.cmpi sle, %bitcast_convert_type3A, %le3A : vector<2048x128xi32>
    %convert_element_type3A = arith.extui %le3A_16 : vector<2048x128xi1> to vector<2048x128xi32>
    %reduce_sum3A = vector.shape_cast %convert_element_type3A : vector<2048x128xi32> to vector<1x2048x128xi32>
    %reduce_sum3A_17 = arith.constant dense<0> : vector<1xi32>
    %reduce_sum3A_18 = vector.multi_reduction <add>, %reduce_sum3A, %reduce_sum3A_17 [1, 2] : vector<1x2048x128xi32> to vector<1xi32>
    %reduce_sum3A_19 = vector.shape_cast %reduce_sum3A_18 : vector<1xi32> to vector<1x1x1xi32>
    %reduce_sum3A_20 = vector.extract %reduce_sum3A_19[0, 0, 0] : i32 from vector<1x1x1xi32>
    %gt3A = vector.broadcast %scan3A_15#0 : i32 to vector<2048x128xi32>
    %gt3A_21 = arith.cmpi sgt, %bitcast_convert_type3A, %gt3A : vector<2048x128xi32>
    %jit3A = arith.constant 2139095039 : i32
    %broadcast_in_dim3A = vector.broadcast %jit3A : i32 to vector<2048x128xi32>
    %select_n3A = arith.select %gt3A_21, %bitcast_convert_type3A, %broadcast_in_dim3A : vector<2048x128xi1>, vector<2048x128xi32>
    %reduce_min3A = vector.shape_cast %select_n3A : vector<2048x128xi32> to vector<1x2048x128xi32>
    %reduce_min3A_22 = arith.constant dense<2147483647> : vector<1xi32>
    %reduce_min3A_23 = vector.multi_reduction <minsi>, %reduce_min3A, %reduce_min3A_22 [1, 2] : vector<1x2048x128xi32> to vector<1xi32>
    %reduce_min3A_24 = vector.shape_cast %reduce_min3A_23 : vector<1xi32> to vector<1x1x1xi32>
    %reduce_min3A_25 = vector.extract %reduce_min3A_24[0, 0, 0] : i32 from vector<1x1x1xi32>
    %ge3A = arith.constant 209716 : i32
    %ge3A_26 = arith.cmpi sge, %reduce_sum3A_20, %ge3A : i32
    %select_n3A_27 = arith.select %ge3A_26, %scan3A_15#0, %reduce_min3A_25 : i32
    %bitcast_convert_type3A_28 = arith.bitcast %scan3A_15#0 : i32 to f32
    %bitcast_convert_type3A_29 = arith.bitcast %select_n3A_27 : i32 to f32
    %mul3A = arith.constant 5.937500e-01 : f32
    %mul3A_30 = arith.mulf %bitcast_convert_type3A_28, %mul3A : f32
    %mul3A_31 = arith.constant 4.062500e-01 : f32
    %mul3A_32 = arith.mulf %bitcast_convert_type3A_29, %mul3A_31 : f32
    %add3A_33 = arith.addf %mul3A_30, %mul3A_32 : f32
    %abs3A_34 = math.absf %add3A_9 : vector<2048x128xf32>
    %lt3A = vector.broadcast %add3A_33 : f32 to vector<2048x128xf32>
    %lt3A_35 = arith.cmpf olt, %abs3A_34, %lt3A : vector<2048x128xf32>
    %jit3A_36 = arith.constant 0.000000e+00 : f32
    %broadcast_in_dim3A_37 = vector.broadcast %jit3A_36 : f32 to vector<2048x128xf32>
    %select_n3A_38 = arith.select %lt3A_35, %broadcast_in_dim3A_37, %add3A_9 : vector<2048x128xi1>, vector<2048x128xf32>
    %iota3A = tpu.iota {dimensions = array<i32: 1>} : vector<2048x128xi32>
    %reduce_max3A = arith.constant dense<0xFF800000> : vector<2048xf32>
    %reduce_max3A_39 = vector.multi_reduction <maximumf>, %select_n3A_38, %reduce_max3A [1] : vector<2048x128xf32> to vector<2048xf32>
    %broadcast_in_dim3A_40 = vector.shape_cast %reduce_max3A_39 : vector<2048xf32> to vector<2048x1xf32>
    %eq3A = vector.broadcast %broadcast_in_dim3A_40 : vector<2048x1xf32> to vector<2048x128xf32>
    %eq3A_41 = arith.cmpf oeq, %select_n3A_38, %eq3A : vector<2048x128xf32>
    %jit3A_42 = arith.constant 128 : i32
    %broadcast_in_dim3A_43 = vector.broadcast %jit3A_42 : i32 to vector<2048x128xi32>
    %select_n3A_44 = arith.select %eq3A_41, %iota3A, %broadcast_in_dim3A_43 : vector<2048x128xi1>, vector<2048x128xi32>
    %reduce_min3A_45 = arith.constant dense<2147483647> : vector<2048xi32>
    %reduce_min3A_46 = vector.multi_reduction <minsi>, %select_n3A_44, %reduce_min3A_45 [1] : vector<2048x128xi32> to vector<2048xi32>
    %broadcast_in_dim3A_47 = vector.shape_cast %reduce_min3A_46 : vector<2048xi32> to vector<2048x1xi32>
    %eq3A_48 = vector.broadcast %broadcast_in_dim3A_47 : vector<2048x1xi32> to vector<2048x128xi32>
    %eq3A_49 = arith.cmpi eq, %iota3A, %eq3A_48 : vector<2048x128xi32>
    %eq3A_50 = vector.broadcast %broadcast_in_dim3A_47 : vector<2048x1xi32> to vector<2048x128xi32>
    %eq3A_51 = arith.cmpi eq, %iota3A, %eq3A_50 : vector<2048x128xi32>
    %jit3A_52 = arith.constant 0xFF800000 : f32
    %broadcast_in_dim3A_53 = vector.broadcast %jit3A_52 : f32 to vector<2048x128xf32>
    %select_n3A_54 = arith.select %eq3A_51, %broadcast_in_dim3A_53, %select_n3A_38 : vector<2048x128xi1>, vector<2048x128xf32>
    %reduce_max3A_55 = arith.constant dense<0xFF800000> : vector<2048xf32>
    %reduce_max3A_56 = vector.multi_reduction <maximumf>, %select_n3A_54, %reduce_max3A_55 [1] : vector<2048x128xf32> to vector<2048xf32>
    %broadcast_in_dim3A_57 = vector.shape_cast %reduce_max3A_56 : vector<2048xf32> to vector<2048x1xf32>
    %eq3A_58 = vector.broadcast %broadcast_in_dim3A_57 : vector<2048x1xf32> to vector<2048x128xf32>
    %eq3A_59 = arith.cmpf oeq, %select_n3A_54, %eq3A_58 : vector<2048x128xf32>
    %jit3A_60 = arith.constant 128 : i32
    %broadcast_in_dim3A_61 = vector.broadcast %jit3A_60 : i32 to vector<2048x128xi32>
    %select_n3A_62 = arith.select %eq3A_59, %iota3A, %broadcast_in_dim3A_61 : vector<2048x128xi1>, vector<2048x128xi32>
    %reduce_min3A_63 = arith.constant dense<2147483647> : vector<2048xi32>
    %reduce_min3A_64 = vector.multi_reduction <minsi>, %select_n3A_62, %reduce_min3A_63 [1] : vector<2048x128xi32> to vector<2048xi32>
    %broadcast_in_dim3A_65 = vector.shape_cast %reduce_min3A_64 : vector<2048xi32> to vector<2048x1xi32>
    %eq3A_66 = vector.broadcast %broadcast_in_dim3A_65 : vector<2048x1xi32> to vector<2048x128xi32>
    %eq3A_67 = arith.cmpi eq, %iota3A, %eq3A_66 : vector<2048x128xi32>
    %eq3A_68 = vector.broadcast %broadcast_in_dim3A_65 : vector<2048x1xi32> to vector<2048x128xi32>
    %eq3A_69 = arith.cmpi eq, %iota3A, %eq3A_68 : vector<2048x128xi32>
    %jit3A_70 = arith.constant 0xFF800000 : f32
    %broadcast_in_dim3A_71 = vector.broadcast %jit3A_70 : f32 to vector<2048x128xf32>
    %select_n3A_72 = arith.select %eq3A_69, %broadcast_in_dim3A_71, %select_n3A_54 : vector<2048x128xi1>, vector<2048x128xf32>
    %reduce_max3A_73 = arith.constant dense<0xFF800000> : vector<2048xf32>
    %reduce_max3A_74 = vector.multi_reduction <maximumf>, %select_n3A_72, %reduce_max3A_73 [1] : vector<2048x128xf32> to vector<2048xf32>
    %broadcast_in_dim3A_75 = vector.shape_cast %reduce_max3A_74 : vector<2048xf32> to vector<2048x1xf32>
    %eq3A_76 = vector.broadcast %broadcast_in_dim3A_75 : vector<2048x1xf32> to vector<2048x128xf32>
    %eq3A_77 = arith.cmpf oeq, %select_n3A_72, %eq3A_76 : vector<2048x128xf32>
    %jit3A_78 = arith.constant 128 : i32
    %broadcast_in_dim3A_79 = vector.broadcast %jit3A_78 : i32 to vector<2048x128xi32>
    %select_n3A_80 = arith.select %eq3A_77, %iota3A, %broadcast_in_dim3A_79 : vector<2048x128xi1>, vector<2048x128xi32>
    %reduce_min3A_81 = arith.constant dense<2147483647> : vector<2048xi32>
    %reduce_min3A_82 = vector.multi_reduction <minsi>, %select_n3A_80, %reduce_min3A_81 [1] : vector<2048x128xi32> to vector<2048xi32>
    %broadcast_in_dim3A_83 = vector.shape_cast %reduce_min3A_82 : vector<2048xi32> to vector<2048x1xi32>
    %eq3A_84 = vector.broadcast %broadcast_in_dim3A_83 : vector<2048x1xi32> to vector<2048x128xi32>
    %eq3A_85 = arith.cmpi eq, %iota3A, %eq3A_84 : vector<2048x128xi32>
    %eq3A_86 = vector.broadcast %broadcast_in_dim3A_83 : vector<2048x1xi32> to vector<2048x128xi32>
    %eq3A_87 = arith.cmpi eq, %iota3A, %eq3A_86 : vector<2048x128xi32>
    %jit3A_88 = arith.constant 0xFF800000 : f32
    %broadcast_in_dim3A_89 = vector.broadcast %jit3A_88 : f32 to vector<2048x128xf32>
    %select_n3A_90 = arith.select %eq3A_87, %broadcast_in_dim3A_89, %select_n3A_72 : vector<2048x128xi1>, vector<2048x128xf32>
    %reduce_max3A_91 = arith.constant dense<0xFF800000> : vector<2048xf32>
    %reduce_max3A_92 = vector.multi_reduction <maximumf>, %select_n3A_90, %reduce_max3A_91 [1] : vector<2048x128xf32> to vector<2048xf32>
    %broadcast_in_dim3A_93 = vector.shape_cast %reduce_max3A_92 : vector<2048xf32> to vector<2048x1xf32>
    %eq3A_94 = vector.broadcast %broadcast_in_dim3A_93 : vector<2048x1xf32> to vector<2048x128xf32>
    %eq3A_95 = arith.cmpf oeq, %select_n3A_90, %eq3A_94 : vector<2048x128xf32>
    %jit3A_96 = arith.constant 128 : i32
    %broadcast_in_dim3A_97 = vector.broadcast %jit3A_96 : i32 to vector<2048x128xi32>
    %select_n3A_98 = arith.select %eq3A_95, %iota3A, %broadcast_in_dim3A_97 : vector<2048x128xi1>, vector<2048x128xi32>
    %reduce_min3A_99 = arith.constant dense<2147483647> : vector<2048xi32>
    %reduce_min3A_100 = vector.multi_reduction <minsi>, %select_n3A_98, %reduce_min3A_99 [1] : vector<2048x128xi32> to vector<2048xi32>
    %broadcast_in_dim3A_101 = vector.shape_cast %reduce_min3A_100 : vector<2048xi32> to vector<2048x1xi32>
    %eq3A_102 = vector.broadcast %broadcast_in_dim3A_101 : vector<2048x1xi32> to vector<2048x128xi32>
    %eq3A_103 = arith.cmpi eq, %iota3A, %eq3A_102 : vector<2048x128xi32>
    %sub3A = arith.subf %broadcast_in_dim3A_40, %broadcast_in_dim3A_40 : vector<2048x1xf32>
    %exp3A = math.exp %sub3A : vector<2048x1xf32>
    %sub3A_104 = arith.subf %broadcast_in_dim3A_57, %broadcast_in_dim3A_40 : vector<2048x1xf32>
    %exp3A_105 = math.exp %sub3A_104 : vector<2048x1xf32>
    %sub3A_106 = arith.subf %broadcast_in_dim3A_75, %broadcast_in_dim3A_40 : vector<2048x1xf32>
    %exp3A_107 = math.exp %sub3A_106 : vector<2048x1xf32>
    %sub3A_108 = arith.subf %broadcast_in_dim3A_93, %broadcast_in_dim3A_40 : vector<2048x1xf32>
    %exp3A_109 = math.exp %sub3A_108 : vector<2048x1xf32>
    %add3A_110 = arith.addf %exp3A, %exp3A_105 : vector<2048x1xf32>
    %add3A_111 = arith.addf %add3A_110, %exp3A_107 : vector<2048x1xf32>
    %add3A_112 = arith.addf %add3A_111, %exp3A_109 : vector<2048x1xf32>
    %div3A = arith.divf %exp3A, %add3A_112 : vector<2048x1xf32>
    %div3A_113 = arith.divf %exp3A_105, %add3A_112 : vector<2048x1xf32>
    %div3A_114 = arith.divf %exp3A_107, %add3A_112 : vector<2048x1xf32>
    %div3A_115 = arith.divf %exp3A_109, %add3A_112 : vector<2048x1xf32>
    %swap3A = arith.constant 0 : index
    %swap3A_116 = arith.constant 0 : index
    %swap3A_117 = vector.load %arg7[%swap3A, %swap3A_116] : memref<2048x1xf32, #tpu.memory_space<vmem>>, vector<2048x1xf32>
    tpu.vector_store %arg7[%swap3A, %swap3A_116], %div3A {strides = array<i32>} : memref<2048x1xf32, #tpu.memory_space<vmem>>, vector<2048x1xf32>,
    %swap3A_118 = arith.constant 0 : index
    %swap3A_119 = arith.constant 0 : index
    %swap3A_120 = vector.load %arg8[%swap3A_118, %swap3A_119] : memref<2048x1xf32, #tpu.memory_space<vmem>>, vector<2048x1xf32>
    tpu.vector_store %arg8[%swap3A_118, %swap3A_119], %div3A_113 {strides = array<i32>} : memref<2048x1xf32, #tpu.memory_space<vmem>>, vector<2048x1xf32>,
    %swap3A_121 = arith.constant 0 : index
    %swap3A_122 = arith.constant 0 : index
    %swap3A_123 = vector.load %arg9[%swap3A_121, %swap3A_122] : memref<2048x1xf32, #tpu.memory_space<vmem>>, vector<2048x1xf32>
    tpu.vector_store %arg9[%swap3A_121, %swap3A_122], %div3A_114 {strides = array<i32>} : memref<2048x1xf32, #tpu.memory_space<vmem>>, vector<2048x1xf32>,
    %swap3A_124 = arith.constant 0 : index
    %swap3A_125 = arith.constant 0 : index
    %swap3A_126 = vector.load %arg10[%swap3A_124, %swap3A_125] : memref<2048x1xf32, #tpu.memory_space<vmem>>, vector<2048x1xf32>
    tpu.vector_store %arg10[%swap3A_124, %swap3A_125], %div3A_115 {strides = array<i32>} : memref<2048x1xf32, #tpu.memory_space<vmem>>, vector<2048x1xf32>,
    %broadcast_in_dim3A_127 = arith.constant 0.000000e+00 : f32
    %broadcast_in_dim3A_128 = vector.broadcast %broadcast_in_dim3A_127 : f32 to vector<2048x128xf32>
    %broadcast_in_dim3A_129 = arith.constant 0.000000e+00 : f32
    %broadcast_in_dim3A_130 = vector.broadcast %broadcast_in_dim3A_129 : f32 to vector<2048x128xf32>
    %jit3A_131 = arith.constant 0.000000e+00 : f32
    %broadcast_in_dim3A_132 = vector.shape_cast %div3A : vector<2048x1xf32> to vector<2048x1xf32>
    %broadcast_in_dim3A_133 = vector.broadcast %broadcast_in_dim3A_132 : vector<2048x1xf32> to vector<2048x128xf32>
    %broadcast_in_dim3A_134 = vector.broadcast %jit3A_131 : f32 to vector<2048x128xf32>
    %select_n3A_135 = arith.select %eq3A_49, %broadcast_in_dim3A_133, %broadcast_in_dim3A_134 : vector<2048x128xi1>, vector<2048x128xf32>
    %add3A_136 = arith.addf %broadcast_in_dim3A_128, %select_n3A_135 : vector<2048x128xf32>
    %jit3A_137 = arith.constant 1.000000e+00 : f32
    %jit3A_138 = arith.constant 0.000000e+00 : f32
    %broadcast_in_dim3A_139 = vector.broadcast %jit3A_137 : f32 to vector<2048x128xf32>
    %broadcast_in_dim3A_140 = vector.broadcast %jit3A_138 : f32 to vector<2048x128xf32>
    %select_n3A_141 = arith.select %eq3A_49, %broadcast_in_dim3A_139, %broadcast_in_dim3A_140 : vector<2048x128xi1>, vector<2048x128xf32>
    %add3A_142 = arith.addf %broadcast_in_dim3A_130, %select_n3A_141 : vector<2048x128xf32>
    %jit3A_143 = arith.constant 0.000000e+00 : f32
    %broadcast_in_dim3A_144 = vector.shape_cast %div3A_113 : vector<2048x1xf32> to vector<2048x1xf32>
    %broadcast_in_dim3A_145 = vector.broadcast %broadcast_in_dim3A_144 : vector<2048x1xf32> to vector<2048x128xf32>
    %broadcast_in_dim3A_146 = vector.broadcast %jit3A_143 : f32 to vector<2048x128xf32>
    %select_n3A_147 = arith.select %eq3A_67, %broadcast_in_dim3A_145, %broadcast_in_dim3A_146 : vector<2048x128xi1>, vector<2048x128xf32>
    %add3A_148 = arith.addf %add3A_136, %select_n3A_147 : vector<2048x128xf32>
    %jit3A_149 = arith.constant 1.000000e+00 : f32
    %jit3A_150 = arith.constant 0.000000e+00 : f32
    %broadcast_in_dim3A_151 = vector.broadcast %jit3A_149 : f32 to vector<2048x128xf32>
    %broadcast_in_dim3A_152 = vector.broadcast %jit3A_150 : f32 to vector<2048x128xf32>
    %select_n3A_153 = arith.select %eq3A_67, %broadcast_in_dim3A_151, %broadcast_in_dim3A_152 : vector<2048x128xi1>, vector<2048x128xf32>
    %add3A_154 = arith.addf %add3A_142, %select_n3A_153 : vector<2048x128xf32>
    %jit3A_155 = arith.constant 0.000000e+00 : f32
    %broadcast_in_dim3A_156 = vector.shape_cast %div3A_114 : vector<2048x1xf32> to vector<2048x1xf32>
    %broadcast_in_dim3A_157 = vector.broadcast %broadcast_in_dim3A_156 : vector<2048x1xf32> to vector<2048x128xf32>
    %broadcast_in_dim3A_158 = vector.broadcast %jit3A_155 : f32 to vector<2048x128xf32>
    %select_n3A_159 = arith.select %eq3A_85, %broadcast_in_dim3A_157, %broadcast_in_dim3A_158 : vector<2048x128xi1>, vector<2048x128xf32>
    %add3A_160 = arith.addf %add3A_148, %select_n3A_159 : vector<2048x128xf32>
    %jit3A_161 = arith.constant 1.000000e+00 : f32
    %jit3A_162 = arith.constant 0.000000e+00 : f32
    %broadcast_in_dim3A_163 = vector.broadcast %jit3A_161 : f32 to vector<2048x128xf32>
    %broadcast_in_dim3A_164 = vector.broadcast %jit3A_162 : f32 to vector<2048x128xf32>
    %select_n3A_165 = arith.select %eq3A_85, %broadcast_in_dim3A_163, %broadcast_in_dim3A_164 : vector<2048x128xi1>, vector<2048x128xf32>
    %add3A_166 = arith.addf %add3A_154, %select_n3A_165 : vector<2048x128xf32>
    %jit3A_167 = arith.constant 0.000000e+00 : f32
    %broadcast_in_dim3A_168 = vector.shape_cast %div3A_115 : vector<2048x1xf32> to vector<2048x1xf32>
    %broadcast_in_dim3A_169 = vector.broadcast %broadcast_in_dim3A_168 : vector<2048x1xf32> to vector<2048x128xf32>
    %broadcast_in_dim3A_170 = vector.broadcast %jit3A_167 : f32 to vector<2048x128xf32>
    %select_n3A_171 = arith.select %eq3A_103, %broadcast_in_dim3A_169, %broadcast_in_dim3A_170 : vector<2048x128xi1>, vector<2048x128xf32>
    %add3A_172 = arith.addf %add3A_160, %select_n3A_171 : vector<2048x128xf32>
    %jit3A_173 = arith.constant 1.000000e+00 : f32
    %jit3A_174 = arith.constant 0.000000e+00 : f32
    %broadcast_in_dim3A_175 = vector.broadcast %jit3A_173 : f32 to vector<2048x128xf32>
    %broadcast_in_dim3A_176 = vector.broadcast %jit3A_174 : f32 to vector<2048x128xf32>
    %select_n3A_177 = arith.select %eq3A_103, %broadcast_in_dim3A_175, %broadcast_in_dim3A_176 : vector<2048x128xi1>, vector<2048x128xf32>
    %add3A_178 = arith.addf %add3A_166, %select_n3A_177 : vector<2048x128xf32>
    %add3A_179 = arith.addf %div3A, %div3A_113 : vector<2048x1xf32>
    %add3A_180 = arith.addf %add3A_179, %div3A_114 : vector<2048x1xf32>
    %add3A_181 = arith.addf %add3A_180, %div3A_115 : vector<2048x1xf32>
    %get3A_182 = arith.constant 0 : index
    %get3A_183 = arith.constant 0 : index
    %get3A_184 = vector.load %arg3[%get3A_182, %get3A_183] : memref<128x768xf32, #tpu.memory_space<vmem>>, vector<128x768xf32>
    %dot_general3A_185 = arith.constant dense<0.000000e+00> : vector<2048x768xf32>
    %dot_general3A_186 = tpu.matmul %add3A_172, %get3A_184, %dot_general3A_185 {dimension_numbers = #tpu.dot_dimension_numbers<[1], [0], [0], [1], [0, 0, 1, 1], [], []>, transpose_lhs_hint = false} : vector<2048x128xf32>, vector<128x768xf32>, vector<2048x768xf32> -> vector<2048x768xf32>
    %mul3A_187 = arith.mulf %get3A_1, %dot_general3A_186 : vector<2048x768xf32>
    %get3A_188 = arith.constant 0 : index
    %get3A_189 = arith.constant 0 : index
    %get3A_190 = vector.load %arg4[%get3A_188, %get3A_189] : memref<768x768xf32, #tpu.memory_space<vmem>>, vector<768x768xf32>
    %dot_general3A_191 = arith.constant dense<0.000000e+00> : vector<2048x768xf32>
    %dot_general3A_192 = tpu.matmul %mul3A_187, %get3A_190, %dot_general3A_191 {dimension_numbers = #tpu.dot_dimension_numbers<[1], [0], [0], [1], [0, 0, 1, 1], [], []>, transpose_lhs_hint = false} : vector<2048x768xf32>, vector<768x768xf32>, vector<2048x768xf32> -> vector<2048x768xf32>
    %get3A_193 = arith.constant 0 : index
    %get3A_194 = arith.constant 0 : index
    %get3A_195 = vector.load %arg5[%get3A_193, %get3A_194] : memref<1x768xf32, #tpu.memory_space<vmem>>, vector<1x768xf32>
    %mul3A_196 = vector.broadcast %add3A_181 : vector<2048x1xf32> to vector<2048x768xf32>
    %mul3A_197 = vector.broadcast %get3A_195 : vector<1x768xf32> to vector<2048x768xf32>
    %mul3A_198 = arith.mulf %mul3A_196, %mul3A_197 : vector<2048x768xf32>
    %add3A_199 = arith.addf %dot_general3A_192, %mul3A_198 : vector<2048x768xf32>
    %swap3A_200 = arith.constant 0 : index
    %swap3A_201 = arith.constant 0 : index
    %swap3A_202 = vector.load %arg6[%swap3A_200, %swap3A_201] : memref<2048x768xf32, #tpu.memory_space<vmem>>, vector<2048x768xf32>
    tpu.vector_store %arg6[%swap3A_200, %swap3A_201], %add3A_199 {strides = array<i32>} : memref<2048x768xf32, #tpu.memory_space<vmem>>, vector<2048x768xf32>,
    %reduce_sum3A_203 = arith.constant dense<0.000000e+00> : vector<128xf32>
    %reduce_sum3A_204 = vector.multi_reduction <add>, %add3A_178, %reduce_sum3A_203 [0] : vector<2048x128xf32> to vector<128xf32>
    %broadcast_in_dim3A_205 = vector.shape_cast %reduce_sum3A_204 : vector<128xf32> to vector<1x128xf32>
    %convert_element_type3A_206 = arith.fptosi %broadcast_in_dim3A_205 : vector<1x128xf32> to vector<1x128xi32>
    %add3A_207 = arith.constant 63 : i32
    %add3A_208 = vector.broadcast %add3A_207 : i32 to vector<1x128xi32>
    %add3A_209 = arith.addi %convert_element_type3A_206, %add3A_208 : vector<1x128xi32>
    %shift_right_arithmetic3A = arith.constant 6 : i32
    %shift_right_arithmetic3A_210 = vector.broadcast %shift_right_arithmetic3A : i32 to vector<1x128xi32>
    %shift_right_arithmetic3A_211 = arith.shrsi %add3A_209, %shift_right_arithmetic3A_210 : vector<1x128xi32>
    %iota3A_212 = tpu.iota {dimensions = array<i32: 0>} : vector<128x128xi32>
    %iota3A_213 = tpu.iota {dimensions = array<i32: 1>} : vector<128x128xi32>
    %lt3A_214 = arith.cmpi slt, %iota3A_212, %iota3A_213 : vector<128x128xi32>
    %convert_element_type3A_215 = arith.extui %lt3A_214 : vector<128x128xi1> to vector<128x128xi32>
    %convert_element_type3A_216 = arith.sitofp %convert_element_type3A_215 : vector<128x128xi32> to vector<128x128xf32>
    %convert_element_type3A_217 = arith.sitofp %shift_right_arithmetic3A_211 : vector<1x128xi32> to vector<1x128xf32>
    %dot_general3A_218 = arith.constant dense<0.000000e+00> : vector<1x128xf32>
    %dot_general3A_219 = tpu.matmul %convert_element_type3A_217, %convert_element_type3A_216, %dot_general3A_218 {dimension_numbers = #tpu.dot_dimension_numbers<[1], [0], [0], [1], [0, 0, 1, 1], [], []>, transpose_lhs_hint = false} : vector<1x128xf32>, vector<128x128xf32>, vector<1x128xf32> -> vector<1x128xf32>
    %convert_element_type3A_220 = arith.fptosi %dot_general3A_219 : vector<1x128xf32> to vector<1x128xi32>
    %broadcast_in_dim3A_221 = arith.constant 0.000000e+00 : f32
    %broadcast_in_dim3A_222 = vector.broadcast %broadcast_in_dim3A_221 : f32 to vector<1x128xf32>
    %slice3A = vector.extract_strided_slice %add3A_178 {offsets = [0, 0], sizes = [2047, 128], strides = [1, 1]} : vector<2048x128xf32> to vector<2047x128xf32>
    %concatenate3A = tpu.concatenate %broadcast_in_dim3A_222, %slice3A in 0 : vector<1x128xf32>, vector<2047x128xf32> -> vector<2048x128xf32>
    %add3A_223 = arith.addf %add3A_178, %concatenate3A : vector<2048x128xf32>
    %broadcast_in_dim3A_224 = arith.constant 0.000000e+00 : f32
    %broadcast_in_dim3A_225 = vector.broadcast %broadcast_in_dim3A_224 : f32 to vector<2x128xf32>
    %slice3A_226 = vector.extract_strided_slice %add3A_223 {offsets = [0, 0], sizes = [2046, 128], strides = [1, 1]} : vector<2048x128xf32> to vector<2046x128xf32>
    %concatenate3A_227 = tpu.concatenate %broadcast_in_dim3A_225, %slice3A_226 in 0 : vector<2x128xf32>, vector<2046x128xf32> -> vector<2048x128xf32>
    %add3A_228 = arith.addf %add3A_223, %concatenate3A_227 : vector<2048x128xf32>
    %broadcast_in_dim3A_229 = arith.constant 0.000000e+00 : f32
    %broadcast_in_dim3A_230 = vector.broadcast %broadcast_in_dim3A_229 : f32 to vector<4x128xf32>
    %slice3A_231 = vector.extract_strided_slice %add3A_228 {offsets = [0, 0], sizes = [2044, 128], strides = [1, 1]} : vector<2048x128xf32> to vector<2044x128xf32>
    %concatenate3A_232 = tpu.concatenate %broadcast_in_dim3A_230, %slice3A_231 in 0 : vector<4x128xf32>, vector<2044x128xf32> -> vector<2048x128xf32>
    %add3A_233 = arith.addf %add3A_228, %concatenate3A_232 : vector<2048x128xf32>
    %broadcast_in_dim3A_234 = arith.constant 0.000000e+00 : f32
    %broadcast_in_dim3A_235 = vector.broadcast %broadcast_in_dim3A_234 : f32 to vector<8x128xf32>
    %slice3A_236 = vector.extract_strided_slice %add3A_233 {offsets = [0, 0], sizes = [2040, 128], strides = [1, 1]} : vector<2048x128xf32> to vector<2040x128xf32>
    %concatenate3A_237 = tpu.concatenate %broadcast_in_dim3A_235, %slice3A_236 in 0 : vector<8x128xf32>, vector<2040x128xf32> -> vector<2048x128xf32>
    %add3A_238 = arith.addf %add3A_233, %concatenate3A_237 : vector<2048x128xf32>
    %broadcast_in_dim3A_239 = arith.constant 0.000000e+00 : f32
    %broadcast_in_dim3A_240 = vector.broadcast %broadcast_in_dim3A_239 : f32 to vector<16x128xf32>
    %slice3A_241 = vector.extract_strided_slice %add3A_238 {offsets = [0, 0], sizes = [2032, 128], strides = [1, 1]} : vector<2048x128xf32> to vector<2032x128xf32>
    %concatenate3A_242 = tpu.concatenate %broadcast_in_dim3A_240, %slice3A_241 in 0 : vector<16x128xf32>, vector<2032x128xf32> -> vector<2048x128xf32>
    %add3A_243 = arith.addf %add3A_238, %concatenate3A_242 : vector<2048x128xf32>
    %broadcast_in_dim3A_244 = arith.constant 0.000000e+00 : f32
    %broadcast_in_dim3A_245 = vector.broadcast %broadcast_in_dim3A_244 : f32 to vector<32x128xf32>
    %slice3A_246 = vector.extract_strided_slice %add3A_243 {offsets = [0, 0], sizes = [2016, 128], strides = [1, 1]} : vector<2048x128xf32> to vector<2016x128xf32>
    %concatenate3A_247 = tpu.concatenate %broadcast_in_dim3A_245, %slice3A_246 in 0 : vector<32x128xf32>, vector<2016x128xf32> -> vector<2048x128xf32>
    %add3A_248 = arith.addf %add3A_243, %concatenate3A_247 : vector<2048x128xf32>
    %broadcast_in_dim3A_249 = arith.constant 0.000000e+00 : f32
    %broadcast_in_dim3A_250 = vector.broadcast %broadcast_in_dim3A_249 : f32 to vector<64x128xf32>
    %slice3A_251 = vector.extract_strided_slice %add3A_248 {offsets = [0, 0], sizes = [1984, 128], strides = [1, 1]} : vector<2048x128xf32> to vector<1984x128xf32>
    %concatenate3A_252 = tpu.concatenate %broadcast_in_dim3A_250, %slice3A_251 in 0 : vector<64x128xf32>, vector<1984x128xf32> -> vector<2048x128xf32>
    %add3A_253 = arith.addf %add3A_248, %concatenate3A_252 : vector<2048x128xf32>
    %broadcast_in_dim3A_254 = arith.constant 0.000000e+00 : f32
    %broadcast_in_dim3A_255 = vector.broadcast %broadcast_in_dim3A_254 : f32 to vector<128x128xf32>
    %slice3A_256 = vector.extract_strided_slice %add3A_253 {offsets = [0, 0], sizes = [1920, 128], strides = [1, 1]} : vector<2048x128xf32> to vector<1920x128xf32>
    %concatenate3A_257 = tpu.concatenate %broadcast_in_dim3A_255, %slice3A_256 in 0 : vector<128x128xf32>, vector<1920x128xf32> -> vector<2048x128xf32>
    %add3A_258 = arith.addf %add3A_253, %concatenate3A_257 : vector<2048x128xf32>
    %broadcast_in_dim3A_259 = arith.constant 0.000000e+00 : f32
    %broadcast_in_dim3A_260 = vector.broadcast %broadcast_in_dim3A_259 : f32 to vector<256x128xf32>
    %slice3A_261 = vector.extract_strided_slice %add3A_258 {offsets = [0, 0], sizes = [1792, 128], strides = [1, 1]} : vector<2048x128xf32> to vector<1792x128xf32>
    %concatenate3A_262 = tpu.concatenate %broadcast_in_dim3A_260, %slice3A_261 in 0 : vector<256x128xf32>, vector<1792x128xf32> -> vector<2048x128xf32>
    %add3A_263 = arith.addf %add3A_258, %concatenate3A_262 : vector<2048x128xf32>
    %broadcast_in_dim3A_264 = arith.constant 0.000000e+00 : f32
    %broadcast_in_dim3A_265 = vector.broadcast %broadcast_in_dim3A_264 : f32 to vector<512x128xf32>
    %slice3A_266 = vector.extract_strided_slice %add3A_263 {offsets = [0, 0], sizes = [1536, 128], strides = [1, 1]} : vector<2048x128xf32> to vector<1536x128xf32>
    %concatenate3A_267 = tpu.concatenate %broadcast_in_dim3A_265, %slice3A_266 in 0 : vector<512x128xf32>, vector<1536x128xf32> -> vector<2048x128xf32>
    %add3A_268 = arith.addf %add3A_263, %concatenate3A_267 : vector<2048x128xf32>
    %broadcast_in_dim3A_269 = arith.constant 0.000000e+00 : f32
    %broadcast_in_dim3A_270 = vector.broadcast %broadcast_in_dim3A_269 : f32 to vector<1024x128xf32>
    %slice3A_271 = vector.extract_strided_slice %add3A_268 {offsets = [0, 0], sizes = [1024, 128], strides = [1, 1]} : vector<2048x128xf32> to vector<1024x128xf32>
    %concatenate3A_272 = tpu.concatenate %broadcast_in_dim3A_270, %slice3A_271 in 0 : vector<1024x128xf32>, vector<1024x128xf32> -> vector<2048x128xf32>
    %add3A_273 = arith.addf %add3A_268, %concatenate3A_272 : vector<2048x128xf32>
    %sub3A_274 = arith.subf %add3A_273, %add3A_178 : vector<2048x128xf32>
    %mul3A_275 = arith.constant 6.400000e+01 : f32
    %mul3A_276 = vector.broadcast %mul3A_275 : f32 to vector<1x128xf32>
    %mul3A_277 = arith.mulf %dot_general3A_219, %mul3A_276 : vector<1x128xf32>
    %add3A_278 = vector.broadcast %mul3A_277 : vector<1x128xf32> to vector<2048x128xf32>
    %add3A_279 = arith.addf %add3A_278, %sub3A_274 : vector<2048x128xf32>
    %jit3A_280 = arith.constant 0.000000e+00 : f32
    %broadcast_in_dim3A_281 = vector.broadcast %jit3A_280 : f32 to vector<2048x128xf32>
    %select_n3A_282 = arith.select %eq3A_49, %add3A_279, %broadcast_in_dim3A_281 : vector<2048x128xi1>, vector<2048x128xf32>
    %reduce_sum3A_283 = arith.constant dense<0.000000e+00> : vector<2048xf32>
    %reduce_sum3A_284 = vector.multi_reduction <add>, %select_n3A_282, %reduce_sum3A_283 [1] : vector<2048x128xf32> to vector<2048xf32>
    %broadcast_in_dim3A_285 = vector.shape_cast %reduce_sum3A_284 : vector<2048xf32> to vector<2048x1xf32>
    %convert_element_type3A_286 = arith.fptosi %broadcast_in_dim3A_285 : vector<2048x1xf32> to vector<2048x1xi32>
    %swap3A_287 = arith.constant 0 : index
    %swap3A_288 = arith.constant 0 : index
    %swap3A_289 = vector.load %arg11[%swap3A_287, %swap3A_288] : memref<2048x1xi32, #tpu.memory_space<vmem>>, vector<2048x1xi32>
    tpu.vector_store %arg11[%swap3A_287, %swap3A_288], %convert_element_type3A_286 {strides = array<i32>} : memref<2048x1xi32, #tpu.memory_space<vmem>>, vector<2048x1xi32>,
    %jit3A_290 = arith.constant 0.000000e+00 : f32
    %broadcast_in_dim3A_291 = vector.broadcast %jit3A_290 : f32 to vector<2048x128xf32>
    %select_n3A_292 = arith.select %eq3A_67, %add3A_279, %broadcast_in_dim3A_291 : vector<2048x128xi1>, vector<2048x128xf32>
    %reduce_sum3A_293 = arith.constant dense<0.000000e+00> : vector<2048xf32>
    %reduce_sum3A_294 = vector.multi_reduction <add>, %select_n3A_292, %reduce_sum3A_293 [1] : vector<2048x128xf32> to vector<2048xf32>
    %broadcast_in_dim3A_295 = vector.shape_cast %reduce_sum3A_294 : vector<2048xf32> to vector<2048x1xf32>
    %convert_element_type3A_296 = arith.fptosi %broadcast_in_dim3A_295 : vector<2048x1xf32> to vector<2048x1xi32>
    %swap3A_297 = arith.constant 0 : index
    %swap3A_298 = arith.constant 0 : index
    %swap3A_299 = vector.load %arg12[%swap3A_297, %swap3A_298] : memref<2048x1xi32, #tpu.memory_space<vmem>>, vector<2048x1xi32>
    tpu.vector_store %arg12[%swap3A_297, %swap3A_298], %convert_element_type3A_296 {strides = array<i32>} : memref<2048x1xi32, #tpu.memory_space<vmem>>, vector<2048x1xi32>,
    %jit3A_300 = arith.constant 0.000000e+00 : f32
    %broadcast_in_dim3A_301 = vector.broadcast %jit3A_300 : f32 to vector<2048x128xf32>
    %select_n3A_302 = arith.select %eq3A_85, %add3A_279, %broadcast_in_dim3A_301 : vector<2048x128xi1>, vector<2048x128xf32>
    %reduce_sum3A_303 = arith.constant dense<0.000000e+00> : vector<2048xf32>
    %reduce_sum3A_304 = vector.multi_reduction <add>, %select_n3A_302, %reduce_sum3A_303 [1] : vector<2048x128xf32> to vector<2048xf32>
    %broadcast_in_dim3A_305 = vector.shape_cast %reduce_sum3A_304 : vector<2048xf32> to vector<2048x1xf32>
    %convert_element_type3A_306 = arith.fptosi %broadcast_in_dim3A_305 : vector<2048x1xf32> to vector<2048x1xi32>
    %swap3A_307 = arith.constant 0 : index
    %swap3A_308 = arith.constant 0 : index
    %swap3A_309 = vector.load %arg13[%swap3A_307, %swap3A_308] : memref<2048x1xi32, #tpu.memory_space<vmem>>, vector<2048x1xi32>
    tpu.vector_store %arg13[%swap3A_307, %swap3A_308], %convert_element_type3A_306 {strides = array<i32>} : memref<2048x1xi32, #tpu.memory_space<vmem>>, vector<2048x1xi32>,
    %jit3A_310 = arith.constant 0.000000e+00 : f32
    %broadcast_in_dim3A_311 = vector.broadcast %jit3A_310 : f32 to vector<2048x128xf32>
    %select_n3A_312 = arith.select %eq3A_103, %add3A_279, %broadcast_in_dim3A_311 : vector<2048x128xi1>, vector<2048x128xf32>
    %reduce_sum3A_313 = arith.constant dense<0.000000e+00> : vector<2048xf32>
    %reduce_sum3A_314 = vector.multi_reduction <add>, %select_n3A_312, %reduce_sum3A_313 [1] : vector<2048x128xf32> to vector<2048xf32>
    %broadcast_in_dim3A_315 = vector.shape_cast %reduce_sum3A_314 : vector<2048xf32> to vector<2048x1xf32>
    %convert_element_type3A_316 = arith.fptosi %broadcast_in_dim3A_315 : vector<2048x1xf32> to vector<2048x1xi32>
    %swap3A_317 = arith.constant 0 : index
    %swap3A_318 = arith.constant 0 : index
    %swap3A_319 = vector.load %arg14[%swap3A_317, %swap3A_318] : memref<2048x1xi32, #tpu.memory_space<vmem>>, vector<2048x1xi32>
    tpu.vector_store %arg14[%swap3A_317, %swap3A_318], %convert_element_type3A_316 {strides = array<i32>} : memref<2048x1xi32, #tpu.memory_space<vmem>>, vector<2048x1xi32>,
    %iota3A_320 = tpu.iota {dimensions = array<i32: 0>} : vector<256x128xi32>
    %iota3A_321 = tpu.iota {dimensions = array<i32: 1>} : vector<256x128xi32>
    %ge3A_322 = vector.broadcast %convert_element_type3A_220 : vector<1x128xi32> to vector<256x128xi32>
    %ge3A_323 = arith.cmpi sge, %iota3A_320, %ge3A_322 : vector<256x128xi32>
    %add3A_324 = arith.addi %convert_element_type3A_220, %shift_right_arithmetic3A_211 : vector<1x128xi32>
    %lt3A_325 = vector.broadcast %add3A_324 : vector<1x128xi32> to vector<256x128xi32>
    %lt3A_326 = arith.cmpi slt, %iota3A_320, %lt3A_325 : vector<256x128xi32>
    %and3A = arith.andi %ge3A_323, %lt3A_326 : vector<256x128xi1>
    %jit3A_327 = arith.constant 0 : i32
    %broadcast_in_dim3A_328 = vector.broadcast %jit3A_327 : i32 to vector<256x128xi32>
    %select_n3A_329 = arith.select %and3A, %iota3A_321, %broadcast_in_dim3A_328 : vector<256x128xi1>, vector<256x128xi32>
    %reduce_sum3A_330 = arith.constant dense<0> : vector<256xi32>
    %reduce_sum3A_331 = vector.multi_reduction <add>, %select_n3A_329, %reduce_sum3A_330 [1] : vector<256x128xi32> to vector<256xi32>
    %broadcast_in_dim3A_332 = vector.shape_cast %reduce_sum3A_331 : vector<256xi32> to vector<256x1xi32>
    %swap3A_333 = arith.constant 0 : index
    %swap3A_334 = arith.constant 0 : index
    %swap3A_335 = vector.load %arg15[%swap3A_333, %swap3A_334] : memref<256x1xi32, #tpu.memory_space<vmem>>, vector<256x1xi32>
    tpu.vector_store %arg15[%swap3A_333, %swap3A_334], %broadcast_in_dim3A_332 {strides = array<i32>} : memref<256x1xi32, #tpu.memory_space<vmem>>, vector<256x1xi32>,
    return
  }
}

module attributes {stable_mosaic.version = 14 : i64} {
  func.func @_ffn_body(%arg0: i32, %arg1: memref<256xi32, #tpu.memory_space<smem>>, %arg2: memref<64x768xf32, #tpu.memory_space<vmem>>, %arg3: memref<1x768x128xf32, #tpu.memory_space<vmem>>, %arg4: memref<1x128x768xf32, #tpu.memory_space<vmem>>, %arg5: memref<64x768xf32, #tpu.memory_space<vmem>>) attributes {dimension_semantics = [#tpu.dimension_semantics<arbitrary>], iteration_bounds = array<i64: 256>, scalar_prefetch = 0 : i64, scratch_operands = 0 : i64, tpu.core_type = #tpu.core_type<tc>, window_params = [{transform_indices = @transform_0, window_bounds = array<i64: 256>}, {transform_indices = @transform_1, window_bounds = array<i64: 64, 768>}, {transform_indices = @transform_2, window_bounds = array<i64: 1, 768, 128>}, {transform_indices = @transform_3, window_bounds = array<i64: 1, 128, 768>}, {transform_indices = @transform_4, window_bounds = array<i64: 64, 768>}]} {
    %get3A = arith.constant 0 : index
    %get3A_0 = arith.constant 0 : index
    %get3A_1 = vector.load %arg2[%get3A, %get3A_0] : memref<64x768xf32, #tpu.memory_space<vmem>>, vector<64x768xf32>
    %convert_element_type3A = arith.truncf %get3A_1 : vector<64x768xf32> to vector<64x768xbf16>
    %get3A_2 = arith.constant 0 : index
    %get3A_3 = arith.constant 0 : index
    %get3A_4 = arith.constant 0 : index
    %get3A_5 = vector.load %arg3[%get3A_2, %get3A_3, %get3A_4] : memref<1x768x128xf32, #tpu.memory_space<vmem>>, vector<1x768x128xf32>
    %get3A_6 = vector.shape_cast %get3A_5 : vector<1x768x128xf32> to vector<768x128xf32>
    %convert_element_type3A_7 = arith.truncf %get3A_6 : vector<768x128xf32> to vector<768x128xbf16>
    %dot_general3A = arith.constant dense<0.000000e+00> : vector<64x128xf32>
    %dot_general3A_8 = tpu.matmul %convert_element_type3A, %convert_element_type3A_7, %dot_general3A {dimension_numbers = #tpu.dot_dimension_numbers<[1], [0], [0], [1], [0, 0, 1, 1], [], []>, transpose_lhs_hint = false} : vector<64x768xbf16>, vector<768x128xbf16>, vector<64x128xf32> -> vector<64x128xf32>
    %max3A = arith.constant 0.000000e+00 : f32
    %max3A_9 = vector.broadcast %max3A : f32 to vector<64x128xf32>
    %max3A_10 = arith.maximumf %dot_general3A_8, %max3A_9 : vector<64x128xf32>
    %convert_element_type3A_11 = arith.truncf %max3A_10 : vector<64x128xf32> to vector<64x128xbf16>
    %get3A_12 = arith.constant 0 : index
    %get3A_13 = arith.constant 0 : index
    %get3A_14 = arith.constant 0 : index
    %get3A_15 = vector.load %arg4[%get3A_12, %get3A_13, %get3A_14] : memref<1x128x768xf32, #tpu.memory_space<vmem>>, vector<1x128x768xf32>
    %get3A_16 = vector.shape_cast %get3A_15 : vector<1x128x768xf32> to vector<128x768xf32>
    %convert_element_type3A_17 = arith.truncf %get3A_16 : vector<128x768xf32> to vector<128x768xbf16>
    %dot_general3A_18 = arith.constant dense<0.000000e+00> : vector<64x768xf32>
    %dot_general3A_19 = tpu.matmul %convert_element_type3A_11, %convert_element_type3A_17, %dot_general3A_18 {dimension_numbers = #tpu.dot_dimension_numbers<[1], [0], [0], [1], [0, 0, 1, 1], [], []>, transpose_lhs_hint = false} : vector<64x128xbf16>, vector<128x768xbf16>, vector<64x768xf32> -> vector<64x768xf32>
    %swap3A = arith.constant 0 : index
    %swap3A_20 = arith.constant 0 : index
    %swap3A_21 = vector.load %arg5[%swap3A, %swap3A_20] : memref<64x768xf32, #tpu.memory_space<vmem>>, vector<64x768xf32>
    tpu.vector_store %arg5[%swap3A, %swap3A_20], %dot_general3A_19 {strides = array<i32>} : memref<64x768xf32, #tpu.memory_space<vmem>>, vector<64x768xf32>,
    return
  }
  func.func @transform_0(%arg0: i32) -> i32 {
    %c0_i32 = arith.constant 0 : i32
    %c0_i32_0 = arith.constant 0 : i32
    return %c0_i32 : i32
  }
  func.func @transform_1(%arg0: i32) -> (i32, i32) {
    %c0_i32 = arith.constant 0 : i32
    %c0_i32_0 = arith.constant 0 : i32
    return %arg0, %c0_i32 : i32, i32
  }
  func.func @transform_2(%arg0: i32) -> (i32, i32, i32) {
    %c0_i32 = arith.constant 0 : i32
    %c0_i32_0 = arith.constant 0 : i32
    %c0_i32_1 = arith.constant 0 : i32
    %c0_i32_2 = arith.constant 0 : i32
    return %c0_i32, %c0_i32_0, %c0_i32_1 : i32, i32, i32
  }
  func.func @transform_3(%arg0: i32) -> (i32, i32, i32) {
    %c0_i32 = arith.constant 0 : i32
    %c0_i32_0 = arith.constant 0 : i32
    %c0_i32_1 = arith.constant 0 : i32
    %c0_i32_2 = arith.constant 0 : i32
    return %c0_i32, %c0_i32_0, %c0_i32_1 : i32, i32, i32
  }
  func.func @transform_4(%arg0: i32) -> (i32, i32) {
    %c0_i32 = arith.constant 0 : i32
    %c0_i32_0 = arith.constant 0 : i32
    return %arg0, %c0_i32 : i32, i32
  }
}

module attributes {stable_mosaic.version = 14 : i64} {
  func.func @_combine_body(%arg0: i32, %arg1: memref<256x768xf32, #tpu.memory_space<vmem>>, %arg2: memref<256x3072xf32, #tpu.memory_space<vmem>>, %arg3: memref<256x1xf32, #tpu.memory_space<vmem>>, %arg4: memref<256x1xf32, #tpu.memory_space<vmem>>, %arg5: memref<256x1xf32, #tpu.memory_space<vmem>>, %arg6: memref<256x1xf32, #tpu.memory_space<vmem>>, %arg7: memref<256x768xf32, #tpu.memory_space<vmem>>) attributes {dimension_semantics = [#tpu.dimension_semantics<parallel>], iteration_bounds = array<i64: 8>, scalar_prefetch = 0 : i64, scratch_operands = 0 : i64, tpu.core_type = #tpu.core_type<tc>, window_params = [{transform_indices = @transform_0, window_bounds = array<i64: 256, 768>}, {transform_indices = @transform_1, window_bounds = array<i64: 256, 3072>}, {transform_indices = @transform_2, window_bounds = array<i64: 256, 1>}, {transform_indices = @transform_3, window_bounds = array<i64: 256, 1>}, {transform_indices = @transform_4, window_bounds = array<i64: 256, 1>}, {transform_indices = @transform_5, window_bounds = array<i64: 256, 1>}, {transform_indices = @transform_6, window_bounds = array<i64: 256, 768>}]} {
    %get3A = arith.constant 0 : index
    %get3A_0 = arith.constant 0 : index
    %get3A_1 = vector.load %arg1[%get3A, %get3A_0] : memref<256x768xf32, #tpu.memory_space<vmem>>, vector<256x768xf32>
    %get3A_2 = arith.constant 0 : index
    %get3A_3 = arith.constant 0 : index
    %get3A_4 = vector.load %arg3[%get3A_2, %get3A_3] : memref<256x1xf32, #tpu.memory_space<vmem>>, vector<256x1xf32>
    %get3A_5 = arith.constant 0 : index
    %get3A_6 = arith.constant 0 : index
    %get3A_7 = vector.load %arg2[%get3A_5, %get3A_6] : memref<256x3072xf32, #tpu.memory_space<vmem>>, vector<256x768xf32>
    %mul3A = vector.broadcast %get3A_4 : vector<256x1xf32> to vector<256x768xf32>
    %mul3A_8 = arith.mulf %mul3A, %get3A_7 : vector<256x768xf32>
    %add3A = arith.addf %get3A_1, %mul3A_8 : vector<256x768xf32>
    %get3A_9 = arith.constant 0 : index
    %get3A_10 = arith.constant 0 : index
    %get3A_11 = vector.load %arg4[%get3A_9, %get3A_10] : memref<256x1xf32, #tpu.memory_space<vmem>>, vector<256x1xf32>
    %get3A_12 = arith.constant 0 : index
    %get3A_13 = arith.constant 768 : index
    %get3A_14 = vector.load %arg2[%get3A_12, %get3A_13] : memref<256x3072xf32, #tpu.memory_space<vmem>>, vector<256x768xf32>
    %mul3A_15 = vector.broadcast %get3A_11 : vector<256x1xf32> to vector<256x768xf32>
    %mul3A_16 = arith.mulf %mul3A_15, %get3A_14 : vector<256x768xf32>
    %add3A_17 = arith.addf %add3A, %mul3A_16 : vector<256x768xf32>
    %get3A_18 = arith.constant 0 : index
    %get3A_19 = arith.constant 0 : index
    %get3A_20 = vector.load %arg5[%get3A_18, %get3A_19] : memref<256x1xf32, #tpu.memory_space<vmem>>, vector<256x1xf32>
    %get3A_21 = arith.constant 0 : index
    %get3A_22 = arith.constant 1536 : index
    %get3A_23 = vector.load %arg2[%get3A_21, %get3A_22] : memref<256x3072xf32, #tpu.memory_space<vmem>>, vector<256x768xf32>
    %mul3A_24 = vector.broadcast %get3A_20 : vector<256x1xf32> to vector<256x768xf32>
    %mul3A_25 = arith.mulf %mul3A_24, %get3A_23 : vector<256x768xf32>
    %add3A_26 = arith.addf %add3A_17, %mul3A_25 : vector<256x768xf32>
    %get3A_27 = arith.constant 0 : index
    %get3A_28 = arith.constant 0 : index
    %get3A_29 = vector.load %arg6[%get3A_27, %get3A_28] : memref<256x1xf32, #tpu.memory_space<vmem>>, vector<256x1xf32>
    %get3A_30 = arith.constant 0 : index
    %get3A_31 = arith.constant 2304 : index
    %get3A_32 = vector.load %arg2[%get3A_30, %get3A_31] : memref<256x3072xf32, #tpu.memory_space<vmem>>, vector<256x768xf32>
    %mul3A_33 = vector.broadcast %get3A_29 : vector<256x1xf32> to vector<256x768xf32>
    %mul3A_34 = arith.mulf %mul3A_33, %get3A_32 : vector<256x768xf32>
    %add3A_35 = arith.addf %add3A_26, %mul3A_34 : vector<256x768xf32>
    %swap3A = arith.constant 0 : index
    %swap3A_36 = arith.constant 0 : index
    %swap3A_37 = vector.load %arg7[%swap3A, %swap3A_36] : memref<256x768xf32, #tpu.memory_space<vmem>>, vector<256x768xf32>
    tpu.vector_store %arg7[%swap3A, %swap3A_36], %add3A_35 {strides = array<i32>} : memref<256x768xf32, #tpu.memory_space<vmem>>, vector<256x768xf32>,
    return
  }
  func.func @transform_0(%arg0: i32) -> (i32, i32) {
    %c0_i32 = arith.constant 0 : i32
    %c0_i32_0 = arith.constant 0 : i32
    return %arg0, %c0_i32 : i32, i32
  }
  func.func @transform_1(%arg0: i32) -> (i32, i32) {
    %c0_i32 = arith.constant 0 : i32
    %c0_i32_0 = arith.constant 0 : i32
    return %arg0, %c0_i32 : i32, i32
  }
  func.func @transform_2(%arg0: i32) -> (i32, i32) {
    %c0_i32 = arith.constant 0 : i32
    %c0_i32_0 = arith.constant 0 : i32
    return %arg0, %c0_i32 : i32, i32
  }
  func.func @transform_3(%arg0: i32) -> (i32, i32) {
    %c0_i32 = arith.constant 0 : i32
    %c0_i32_0 = arith.constant 0 : i32
    return %arg0, %c0_i32 : i32, i32
  }
  func.func @transform_4(%arg0: i32) -> (i32, i32) {
    %c0_i32 = arith.constant 0 : i32
    %c0_i32_0 = arith.constant 0 : i32
    return %arg0, %c0_i32 : i32, i32
  }
  func.func @transform_5(%arg0: i32) -> (i32, i32) {
    %c0_i32 = arith.constant 0 : i32
    %c0_i32_0 = arith.constant 0 : i32
    return %arg0, %c0_i32 : i32, i32
  }
  func.func @transform_6(%arg0: i32) -> (i32, i32) {
    %c0_i32 = arith.constant 0 : i32
    %c0_i32_0 = arith.constant 0 : i32
    return %arg0, %c0_i32 : i32, i32
  }
}

</mosaic_0001>

<sc_bundles>
// kernel: kernel.10.cloned.1.call-start
scs
__scs_entry_jumppad:
0x0: {  	(pc) =	sbr.rel $0x88, $3  }
0x1: {  	(tag) =	ssettag $0x0;
	lr =	simm.s32 $0x1  }
0x2: {  	[smem:$0x3F99] =	sst lr;
	_ =	strace $0xD0000000  }
0x3: {  	_ = 	snop  }
0x4: {  	_ = 	snop  }
0x5: {  	_ = 	snop  }
0x6: {  	_ = 	snop  }
0x7: {  	_ = 	snop  }
__scs_overlays_trampoline_lowered:
0x8: {  	[smem:$0x3FA8] =	sst s0  }
0x9: {  	[smem:$0x3FA9] =	sst s1  }
0xa: {  	[smem:$0x3FAA] =	sst s2  }
0xb: {  	[smem:$0x3FAB] =	sst s3  }
0xc: {  	[smem:$0x3FAC] =	sst s4  }
0xd: {  	[smem:$0x3FAD] =	sst s5  }
0xe: {  	[smem:$0x3FAE] =	sst s6  }
0xf: {  	[smem:$0x3FAF] =	sst s7  }
0x10: {  	[smem:$0x3FB0] =	sst s8  }
0x11: {  	[smem:$0x3FB1] =	sst s9;
	s0 =	simm.s32 @!p0 $0x0  }
0x12: {  	s1 =	sld [smem:$0x3F97];
	s0 =	simm.s32 @p0 $0x1  }
0x13: {  	[smem:$0x3FB2] =	sst s0;
	s0 =	simm.s32 @!p1 $0x0  }
0x14: {  	s2 =	sld [smem:$0x3F96];
	s0 =	simm.s32 @p1 $0x1  }
0x15: {  	[smem:$0x3FB3] =	sst s0;
	s0 =	simm.s32 @!p2 $0x0  }
0x16: {  	s3 =	sld [smem:$0x3FDB];
	s0 =	simm.s32 @p2 $0x1  }
0x17: {  	s4 =	simm.s32 $0x1BF5;
	[smem:$0x3FB5] =	sst s0  }
0x18: {  	s0 =	sld [smem:$0x3F98];
	_ =	swait.ge [sflag:s4], $0x0  }
0x19: {  	s7 =	sld [smem:$0x3F99]  }
0x1a: {  	s8 =	sadd.s32 $0xFFFFE003, lr  }
0x1b: {  	s9 =	sadd.s32 $0xFFFFFEF7, lr;
	s5 =	simm.s32 $0xFFFFFFFF;
	p2 =	slt.u32 s8, $0xFFFFF086  }
0x1c: {  	p1 =	slt.u32 s9, $0xF7A;
	s5 =	simm.s32 @!p2 $0x0  }
0x1d: {  	s5 =	simm.s32 @p1 $0x1;
	p0 =	seq.s32 s7, s2  }
0x1e: {  	s7 =	smul.u32 @!p0 $0xF7A, s2;
	p2 =	seq.s32 @!p0 s5, $0x0  }
0x1f: {  	s9 =	smul.u32 $0xF7A, s1;
	s8 =	simm.s32 @!p0 $0x1BF5;
	p2 =	por !p2, p0  }
0x20: {  	[sflag:s8] =	ssyncset.s32 @!p0 $0xFFFFF086;
	s6 =	sadd.s32 @!p0 s3, s7;
	s7 =	simm.s32 @!p0 $0x108  }
0x21: {  	s3 =	sadd.s32 s3, s9;
	s6 =	sadd.s32 @!p0 $0x88, s6;
	s7 =	simm.s32 @p2 $0x1082  }
0x22: {  	[simem:s7], [sflag:s8] =	dma.local @!p0 [hbm:s6], $0xF7A  }
0x23: {  	s9 =	sor.u32 $0xD0000000, s2;
	s6 =	simm.s32 $0x108;
	_ =	swait.ge @!p0 [sflag:s8], $0x0  }
0x24: {  	s3 =	sadd.s32 $0x88, s3;
	s6 =	simm.s32 @!p1 $0x1082;
	[sflag:s4] =	ssyncset.s32 $0xFFFFF086  }
0x25: {  	[simem:s6], [sflag:s4] =	dma.local [hbm:s3], $0xF7A  }
0x26: {  	[smem:$0x3F99] =	sst s1;
	(tag) =	ssettag s2;
	_ =	strace s9  }
0x27: {  	s1 =	sld [smem:$0x3FA9]  }
0x28: {  	s2 =	sld [smem:$0x3FAA]  }
0x29: {  	s4 =	sld [smem:$0x3FAC]  }
0x2a: {  	p0 =	seq.s32 s5, $0x0;
	s5 =	sld [smem:$0x3FAD]  }
0x2b: {  	s6 =	sld [smem:$0x3FAE]  }
0x2c: {  	s7 =	sld [smem:$0x3FAF]  }
0x2d: {  	s3 =	simm.s32 $0x108;
	s8 =	sld [smem:$0x3FB0]  }
0x2e: {  	s3 =	simm.s32 @!p0 $0x1082;
	s9 =	sld [smem:$0x3FB1]  }
0x2f: {  	lr =	sadd.s32 s0, s3;
	s0 =	sld [smem:$0x3FA8]  }
0x30: {  	s3 =	sld [smem:$0x3FAB]  }
0x31: {  	[smem:$0x3FB4] =	sst s10  }
0x32: {  	s10 =	sld [smem:$0x3FB2];
	_ =	sdelay $0x3  }
0x33: {  	p0 =	seq.s32 s10, $0x1;
	s10 =	sld [smem:$0x3FB4];
	_ =	sdelay $0x3  }
0x34: {  	[smem:$0x3FB4] =	sst s10  }
0x35: {  	s10 =	sld [smem:$0x3FB3];
	_ =	sdelay $0x3  }
0x36: {  	p1 =	seq.s32 s10, $0x1;
	s10 =	sld [smem:$0x3FB4];
	_ =	sdelay $0x3  }
0x37: {  	[smem:$0x3FB4] =	sst s10  }
0x38: {  	s10 =	sld [smem:$0x3FB5]  }
0x39: {  	_ = 	snop;
	(pc) =	sbr.ind lr, $3  }
0x3a: {  	_ = 	snop  }
0x3b: {  	_ = 	snop  }
0x3c: {  	p2 =	seq.s32 s10, $0x1;
	s10 =	sld [smem:$0x3FB4]  }
0x3d: {  	_ =	shalt  }
0x3e: {  	_ =	shalt  }
0x3f: {  	_ =	shalt  }
0x40: {  	_ =	shalt  }
0x41: {  	_ =	shalt  }
0x42: {  	_ =	shalt  }
0x43: {  	_ =	shalt  }
0x44: {  	_ =	shalt  }
0x45: {  	_ =	shalt  }
0x46: {  	_ =	shalt  }
0x47: {  	_ =	shalt  }
0x48: {  	_ =	shalt  }
0x49: {  	_ =	shalt  }
0x4a: {  	_ =	shalt  }
0x4b: {  	_ =	shalt  }
0x4c: {  	_ =	shalt  }
0x4d: {  	_ =	shalt  }
0x4e: {  	_ =	shalt  }
0x4f: {  	_ =	shalt  }
0x50: {  	_ =	shalt  }
0x51: {  	_ =	shalt  }
0x52: {  	_ =	shalt  }
0x53: {  	_ =	shalt  }
0x54: {  	_ =	shalt  }
0x55: {  	_ =	shalt  }
0x56: {  	_ =	shalt  }
0x57: {  	_ =	shalt  }
0x58: {  	_ =	shalt  }
0x59: {  	_ =	shalt  }
0x5a: {  	_ =	shalt  }
0x5b: {  	_ =	shalt  }
0x5c: {  	_ =	shalt  }
0x5d: {  	_ =	shalt  }
0x5e: {  	_ =	shalt  }
0x5f: {  	_ =	shalt  }
0x60: {  	_ =	shalt  }
0x61: {  	_ =	shalt  }
0x62: {  	_ =	shalt  }
0x63: {  	_ =	shalt  }
0x64: {  	_ =	shalt  }
0x65: {  	_ =	shalt  }
0x66: {  	_ =	shalt  }
0x67: {  	_ =	shalt  }
0x68: {  	_ =	shalt  }
0x69: {  	_ =	shalt  }
0x6a: {  	_ =	shalt  }
0x6b: {  	_ =	shalt  }
0x6c: {  	_ =	shalt  }
0x6d: {  	_ =	shalt  }
0x6e: {  	_ =	shalt  }
0x6f: {  	_ =	shalt  }
0x70: {  	_ =	shalt  }
0x71: {  	_ =	shalt  }
0x72: {  	_ =	shalt  }
0x73: {  	_ =	shalt  }
0x74: {  	_ =	shalt  }
0x75: {  	_ =	shalt  }
0x76: {  	_ =	shalt  }
0x77: {  	_ =	shalt  }
0x78: {  	_ =	shalt  }
0x79: {  	_ =	shalt  }
0x7a: {  	_ =	shalt  }
0x7b: {  	_ =	shalt  }
0x7c: {  	_ =	shalt  }
0x7d: {  	_ =	shalt  }
0x7e: {  	_ =	shalt  }
0x7f: {  	_ =	shalt  }
0x80: {  	_ =	shalt  }
0x81: {  	_ =	shalt  }
0x82: {  	_ =	shalt  }
0x83: {  	_ =	shalt  }
0x84: {  	_ =	shalt  }
0x85: {  	_ =	shalt  }
0x86: {  	_ =	shalt  }
0x87: {  	_ =	shalt  }
.Lfunc_end0:
.L_simem_size_0:
called_computation.1_lowered:
.L_overlay_start_0:
0x88: {  	s2 =	sld [smem:$0x3FD9]  }
0x89: {  	s3 =	sld [smem:$0x3FFE];
	_ =	sdelay $0x1  }
0x8a: {  	s1 =	srdreg.scid  }
0x8b: {  	s0 =	sand.u32 $0x1, s1  }
0x8c: {  	s16 =	sshll.u32 s0, $0xA;
	s2 =	sadd.s32 s3, s2  }
0x8d: {  	s2 =	sadd.s32 s2, s16  }
0x8e: {  	[smem:$0x3FC0] =	sst s2  }
0x8f: {  	_ = 	snop  }
0x90: {  	(tm) =	ssettm $0x1  }
0x91: {  	s17 =	sld [smem:$0x3FFB];
	_ =	sdelay $0x3  }
0x92: {  	_ =	strace s17  }
0x93: {  	s2 =	sld [smem:$0x3FFC];
	_ =	sdelay $0x3  }
0x94: {  	_ =	strace s2  }
0x95: {  	s2 =	sld [smem:$0x3FFD];
	_ =	sdelay $0x3  }
0x96: {  	_ =	strace s2  }
0x97: {  	_ =	strace $0x8FFFFFFF  }
0x98: {  	s18 =	sld [smem:$0x3FDB];
	_ =	sdelay $0x1  }
0x99: {  	s19 =	simm.s32 $_scs_section_size  }
0x9a: {  	s4 =	simm.s32 $_size__tile_overlayer_lowered;
	s5 =	simm.s32 $_tile_overlayer_lowered  }
0x9b: {  	s22 =	simm.s32 $0x1BFF;
	s21 =	sshll.u32 s5, $0x1;
	s2 =	sadd.s32 s19, s18  }
0x9c: {  	s6 =	simm.s32 $0x0;
	s20 =	sshll.u32 s4, $0x1;
	s4 =	sadd.s32 s21, s2  }
0x9d: {  	[timem:s6], [sflag:s22] =	dma.local [hbm:s4], s20  }
0x9e: {  	_ =	swait.ge [sflag:s22], s20  }
0x9f: {  	s3 =	ssub.s32 $0x0, s20;
	[sflag:s22] =	ssyncset.done $0x0  }
0xa0: {  	[sflag:s22] =	ssyncadd.s32 s3;
	_ =	sdelay $0x1  }
0xa1: {  	s23 =	simm.s32 $0x1B8B  }
0xa2: {  	_ =	swait.ge [sflag:s23], $0x1  }
0xa3: {  	[sflag:s23] =	ssyncset.done $0x0  }
0xa4: {  	s25 =	simm.s32 $0x1B8E;
	s24 =	sld [smem:$0x3FFE];
	[sflag:s23] =	ssyncadd.s32 $0xFFFFFFFF  }
0xa5: {  	s26 =	simm.s32 $execute0_lowered;
	[smem:$0x3FD2] =	sst s25  }
0xa6: {  	s4 =	sshll.u32 s26, $0x1;
	_ =	strace $0x80000049;
	[dreg:$0x1] =	wrdreg $0xFFFFFFFF  }
0xa7: {  	s28 =	simm.s32 $_size_execute0_lowered;
	s2 =	sadd.s32 s2, s4;
	[dreg:$0x0] =	wrdreg $0x0  }
0xa8: {  	s4 =	sshll.u32 s28, $0x1;
	[dreg:$0x2] =	wrdreg s2  }
0xa9: {  	[dreg:$0x3] =	wrdreg s4  }
0xaa: {  	[dreg:$0x4] =	wrdreg $0xC0  }
0xab: {  	_ =	task [dreg:s6], $0x5FFFF  }
0xac: {  	[dreg:$0x1] =	wrdreg $0xFFFFFFFF  }
0xad: {  	[dreg:$0x0] =	wrdreg $0x60  }
0xae: {  	[dreg:$0x2] =	wrdreg s24  }
0xaf: {  	[dreg:$0x3] =	wrdreg $0x9  }
0xb0: {  	_ =	task.clear_ibuf [dreg:s6], $0x4FFFF;
	_ =	strace $0x90000049  }
0xb1: {  	s29 =	simm.s32 $0x9;
	_ =	strace $0x8000004B  }
0xb2: {  	_ =	swait.ge [sflag:s29], $0x1  }
0xb3: {  	[sflag:s29] =	ssyncadd.s32 $0xFFFFFFFF  }
0xb4: {  	_ =	strace $0x9000004B  }
0xb5: {  	_ =	sfence  }
0xb6: {  	s30 =	sld [smem:$0x0];
	_ =	sdelay $0x2  }
0xb7: {  	s31 =	sshll.u32 s1, $0xD;
	s1 =	sshrl.u32 s1, $0x2  }
0xb8: {  	s3 =	sand.u32 $0x4000, s31;
	s1 =	sadd.s32 s1, s30  }
0xb9: {  	s0 =	sor.u32 s3, s0;
	s1 =	sshll.u32 s1, $0x11  }
0xba: {  	s0 =	sor.u32 s1, s0  }
0xbb: {  	s0 =	sadd.s32 $0x8F2B, s0  }
0xbc: {  	[sflag:s0] =	ssyncadd.remote.s32 $0x1  }
0xbd: {  	_ =	sfence.sel $0xFFFF  }
0xbe: {  	[dreg:$0x0] =	wrdreg $0xFFFFFFFF;
	(pc) =	sbr.abs _section_cstart, $3  }
0xbf: {  	[dreg:$0x1] =	wrdreg $0xFFFFFFFF  }
0xc0: {  	_ =	task.clear_ibuf [dreg:s6], $0x2FFFF;
	_ =	strace $0x9FFFFFFF  }
0xc1: {  	(tm) =	ssettm $0x7FFFFFFF  }
tec
execute0_lowered:
.L_overlay_start_1:
0x0: {  	(tag) =	ssettag $0x1  }
0x1: {  	s0 =	rddreg [dreg:$0x0]  }
0x2: {  	s1 =	simm.s32 $0x0;
	s2 =	srdreg.scid;
	s5 =	stileid.u32  }
0x3: {  	s22 =	simm.s32 $0x880;
	s23 =	simm.s32 $0x1080;
	s24 =	simm.s32 $0x1880  }
0x4: {  	s26 =	simm.s32 $0x2080;
	s10 =	simm.s32 $0x2880;
	s11 =	simm.s32 $0x3080  }
0x5: {  	s12 =	simm.s32 $0x3880;
	s13 =	simm.s32 $0x4080;
	s14 =	simm.s32 $0x4880  }
0x6: {  	s15 =	simm.s32 $0x5080;
	s16 =	simm.s32 $0x5880;
	s17 =	simm.s32 $0x6080  }
0x7: {  	s18 =	simm.s32 $0x6880;
	s19 =	simm.s32 $0x7080;
	s28 =	simm.s32 $0xB080  }
0x8: {  	s29 =	simm.s32 $0xB880;
	s30 =	simm.s32 $0x1;
	s31 =	simm.s32 $0x0  }
0x9: {  	[smem:$0x7FF] =	sst s1;
	s3 =	sadd.s32 $0x1A2E00, s0;
	s2 =	sand.u32 $0x1, s2  }
0xa: {  	s4 =	sshll.u32 s5, $0x6;
	_ =	strace $0x8000004A;
	[dreg:$0x3] =	wrdreg s22  }
0xb: {  	s5 =	smul.u32 $0xC000, s5;
	s6 =	ssub.s32 $0x2, s2;
	[dreg:$0x4] =	wrdreg s23  }
0xc: {  	s4 =	sadd.s32 s4, s0;
	s8 =	sshll.u32 s2, $0x5;
	[dreg:$0x5] =	wrdreg s24  }
0xd: {  	s2 =	smul.u32 $0x6000, s2;
	[dreg:$0x6] =	wrdreg s26;
	s22 =	simm.s32 $0x8880  }
0xe: {  	s23 =	simm.s32 $0x9080;
	s24 =	simm.s32 $0x9880;
	s26 =	simm.s32 $0xA880  }
0xf: {  	s7 =	sshrl.u32 s6, $0x1;
	s9 =	sadd.s32 s5, s0;
	s20 =	sadd.s32 s8, s4  }
0x10: {  	s4 =	sadd.s32 $0x1A2F00, s0;
	s5 =	sadd.s32 $0x1A3000, s0;
	s8 =	simm.s32 $0x2  }
0x11: {  	s6 =	ssub.s32 s6, s7;
	s21 =	sadd.s32 $0x22600, s20;
	s2 =	sadd.s32 s2, s9  }
0x12: {  	v2 =	vlaneseq.u32;
	s9 =	simm.s32 $0x80;
	[dreg:$0x2] =	wrdreg s21;
	s6 =	smax.u32 s6, $0x1  }
0x13: {  	vm0 =	vmmov $0xffff;
	v1 =	vshrl.u32 v2, $0x3;
	s20 =	simm.s32 $0x7880;
	s25 =	sadd.s32 $0x22A00, s2;
	[dreg:$0x7] =	wrdreg s6  }
0x14: {  	v0 =	vand.u32 $0x7, v2;
	v2 =	vor.u32 $0x8, v2;
	v1 =	vmul.u32 $0x8, v1;
	s21 =	simm.s32 $0x8080;
	[dreg:$0x8] =	wrdreg s25;
	s25 =	simm.s32 $0xA080  }
.LBB2_1:
0x15: {  	s7 =	rddreg [dreg:$0x8];
	s2 =	simm.s32 $0x0  }
.LBB2_2:
0x16: {  	s6 =	rddreg [dreg:$0x2]  }
0x17: {  	s6 =	sadd.s32 s2, s6  }
0x18: {  	[tilespmem:s1], [sflag:$0x2] =	stream.linear.gather [hbm4b:s6+s1], $0x40, $0x38;
	[tilespmem:$0xC080] =	vst v63  }
0x19: {  	_ =	swait.ge [sflag:s8], $0x40  }
0x1a: {  	[sflag:s8] =	ssyncset.done $0x0  }
0x1b: {  	[sflag:s8] =	ssyncadd.s32 $0xFFFFFFC0  }
0x1c: {  	v3 =	vld [tilespmem:$0x0];
	_ =	sdelay $0x4  }
0x1d: {  	v4 =	vshrl.u32 v3, $0x3  }
0x1e: {  	v4 =	vmul.u32 $0x30, v4  }
0x1f: {  	v3 =	vand.u32 $0x7, v3  }
0x20: {  	v3 =	vor.u32 v3, v4  }
0x21: {  	v4 =	vperm.xlane v3, v0;
	_ =	sdelay $0x1  }
0x22: {  	v4 =	vadd.s32 v1, v4;
	_ =	sdelay $0x3  }
0x23: {  	v3 =	vperm.xlane v3, v2  }
0x24: {  	[tilespmem:s9], [sflag:$0x1] =	stream.indirect_vreg.gather [hbm4b:s3+s1], $0x80, v4, vm0, $0xb8;
	[tilespmem:$0xC080] =	vst v63  }
0x25: {  	s6 =	rddreg [dreg:$0x3];
	v3 =	vadd.s32 v1, v3  }
0x26: {  	[tilespmem:s6], [sflag:$0x1] =	stream.indirect_vreg.gather [hbm4b:s4+s1], $0x80, v4, vm0, $0xb8;
	[tilespmem:$0xC080] =	vst v63  }
0x27: {  	s0 =	rddreg [dreg:$0x4]  }
0x28: {  	[tilespmem:s0], [sflag:$0x1] =	stream.indirect_vreg.gather [hbm4b:s5+s1], $0x80, v4, vm0, $0xb8;
	[tilespmem:$0xC080] =	vst v63  }
0x29: {  	s6 =	rddreg [dreg:$0x5]  }
0x2a: {  	[tilespmem:s6], [sflag:$0x1] =	stream.indirect_vreg.gather [hbm4b:s3+s1], $0x80, v3, vm0, $0xb8;
	[tilespmem:$0xC080] =	vst v63  }
0x2b: {  	s0 =	rddreg [dreg:$0x6]  }
0x2c: {  	[tilespmem:s0], [sflag:$0x1] =	stream.indirect_vreg.gather [hbm4b:s4+s1], $0x80, v3, vm0, $0xb8;
	[tilespmem:$0xC080] =	vst v63  }
0x2d: {  	_ = 	snop  }
0x2e: {  	[tilespmem:s10], [sflag:$0x1] =	stream.indirect_vreg.gather [hbm4b:s5+s1], $0x80, v3, vm0, $0xb8;
	[tilespmem:$0xC080] =	vst v63  }
0x2f: {  	v3 =	vld [tilespmem:$0x10];
	_ =	sdelay $0x4  }
0x30: {  	v61 =	vshrl.u32 v3, $0x3  }
0x31: {  	v4 =	vmul.u32 $0x30, v61  }
0x32: {  	v3 =	vand.u32 $0x7, v3  }
0x33: {  	v3 =	vor.u32 v3, v4  }
0x34: {  	v4 =	vperm.xlane v3, v0;
	_ =	sdelay $0x1  }
0x35: {  	v4 =	vadd.s32 v1, v4;
	_ =	sdelay $0x3  }
0x36: {  	v3 =	vperm.xlane v3, v2  }
0x37: {  	[tilespmem:s11], [sflag:$0x1] =	stream.indirect_vreg.gather [hbm4b:s3+s1], $0x80, v4, vm0, $0xb8;
	[tilespmem:$0xC080] =	vst v63  }
0x38: {  	v3 =	vadd.s32 v1, v3  }
0x39: {  	[tilespmem:s12], [sflag:$0x1] =	stream.indirect_vreg.gather [hbm4b:s4+s1], $0x80, v4, vm0, $0xb8;
	[tilespmem:$0xC080] =	vst v63  }
0x3a: {  	_ = 	snop  }
0x3b: {  	[tilespmem:s13], [sflag:$0x1] =	stream.indirect_vreg.gather [hbm4b:s5+s1], $0x80, v4, vm0, $0xb8;
	[tilespmem:$0xC080] =	vst v63  }
0x3c: {  	_ = 	snop  }
0x3d: {  	[tilespmem:s14], [sflag:$0x1] =	stream.indirect_vreg.gather [hbm4b:s3+s1], $0x80, v3, vm0, $0xb8;
	[tilespmem:$0xC080] =	vst v63  }
0x3e: {  	_ = 	snop  }
0x3f: {  	[tilespmem:s15], [sflag:$0x1] =	stream.indirect_vreg.gather [hbm4b:s4+s1], $0x80, v3, vm0, $0xb8;
	[tilespmem:$0xC080] =	vst v63  }
0x40: {  	_ = 	snop  }
0x41: {  	[tilespmem:s16], [sflag:$0x1] =	stream.indirect_vreg.gather [hbm4b:s5+s1], $0x80, v3, vm0, $0xb8;
	[tilespmem:$0xC080] =	vst v63  }
0x42: {  	v3 =	vld [tilespmem:$0x20];
	_ =	sdelay $0x4  }
0x43: {  	v62 =	vshrl.u32 v3, $0x3  }
0x44: {  	v4 =	vmul.u32 $0x30, v62  }
0x45: {  	v3 =	vand.u32 $0x7, v3  }
0x46: {  	v3 =	vor.u32 v3, v4  }
0x47: {  	v4 =	vperm.xlane v3, v0;
	_ =	sdelay $0x1  }
0x48: {  	v4 =	vadd.s32 v1, v4;
	_ =	sdelay $0x3  }
0x49: {  	v3 =	vperm.xlane v3, v2  }
0x4a: {  	[tilespmem:s17], [sflag:$0x1] =	stream.indirect_vreg.gather [hbm4b:s3+s1], $0x80, v4, vm0, $0xb8;
	[tilespmem:$0xC080] =	vst v63  }
0x4b: {  	v3 =	vadd.s32 v1, v3  }
0x4c: {  	[tilespmem:s18], [sflag:$0x1] =	stream.indirect_vreg.gather [hbm4b:s4+s1], $0x80, v4, vm0, $0xb8;
	[tilespmem:$0xC080] =	vst v63  }
0x4d: {  	_ = 	snop  }
0x4e: {  	[tilespmem:s19], [sflag:$0x1] =	stream.indirect_vreg.gather [hbm4b:s5+s1], $0x80, v4, vm0, $0xb8;
	[tilespmem:$0xC080] =	vst v63  }
0x4f: {  	_ = 	snop  }
0x50: {  	[tilespmem:s20], [sflag:$0x1] =	stream.indirect_vreg.gather [hbm4b:s3+s1], $0x80, v3, vm0, $0xb8;
	[tilespmem:$0xC080] =	vst v63  }
0x51: {  	_ = 	snop  }
0x52: {  	[tilespmem:s21], [sflag:$0x1] =	stream.indirect_vreg.gather [hbm4b:s4+s1], $0x80, v3, vm0, $0xb8;
	[tilespmem:$0xC080] =	vst v63  }
0x53: {  	_ = 	snop  }
0x54: {  	[tilespmem:s22], [sflag:$0x1] =	stream.indirect_vreg.gather [hbm4b:s5+s1], $0x80, v3, vm0, $0xb8;
	[tilespmem:$0xC080] =	vst v63  }
0x55: {  	v3 =	vld [tilespmem:$0x30];
	_ =	sdelay $0x4  }
0x56: {  	v63 =	vshrl.u32 v3, $0x3  }
0x57: {  	v4 =	vmul.u32 $0x30, v63  }
0x58: {  	v3 =	vand.u32 $0x7, v3  }
0x59: {  	v3 =	vor.u32 v3, v4  }
0x5a: {  	v4 =	vperm.xlane v3, v0;
	_ =	sdelay $0x1  }
0x5b: {  	v4 =	vadd.s32 v1, v4;
	_ =	sdelay $0x3  }
0x5c: {  	v3 =	vperm.xlane v3, v2  }
0x5d: {  	[tilespmem:s23], [sflag:$0x1] =	stream.indirect_vreg.gather [hbm4b:s3+s1], $0x80, v4, vm0, $0xb8;
	[tilespmem:$0xC080] =	vst v63  }
0x5e: {  	v3 =	vadd.s32 v1, v3  }
0x5f: {  	[tilespmem:s24], [sflag:$0x1] =	stream.indirect_vreg.gather [hbm4b:s4+s1], $0x80, v4, vm0, $0xb8;
	[tilespmem:$0xC080] =	vst v63  }
0x60: {  	_ = 	snop  }
0x61: {  	[tilespmem:s25], [sflag:$0x1] =	stream.indirect_vreg.gather [hbm4b:s5+s1], $0x80, v4, vm0, $0xb8;
	[tilespmem:$0xC080] =	vst v63  }
0x62: {  	_ = 	snop  }
0x63: {  	[tilespmem:s26], [sflag:$0x1] =	stream.indirect_vreg.gather [hbm4b:s3+s1], $0x80, v3, vm0, $0xb8;
	[tilespmem:$0xC080] =	vst v63  }
0x64: {  	_ = 	snop  }
0x65: {  	[tilespmem:s28], [sflag:$0x1] =	stream.indirect_vreg.gather [hbm4b:s4+s1], $0x80, v3, vm0, $0xb8;
	[tilespmem:$0xC080] =	vst v63  }
0x66: {  	_ = 	snop  }
0x67: {  	[tilespmem:s29], [sflag:$0x1] =	stream.indirect_vreg.gather [hbm4b:s5+s1], $0x80, v3, vm0, $0xb8;
	[tilespmem:$0xC080] =	vst v63  }
0x68: {  	_ =	swait.ge [sflag:s30], $0xC000  }
0x69: {  	p0 =	sne.s32 s2, $0x18;
	[sflag:s30] =	ssyncset.done $0x0  }
.Ltmp0:
0x6a: {  	[sflag:s30] =	ssyncadd.s32 $0xFFFF4000;
	(pc) =	sbr.rel @p0 .LBB2_2-.Ltmp0, $4  }
0x6b: {  	[hbm4b:s7+s1] =	stream.linear.scatter [tilespmem:s9], [sflag:$0x2], $0xC000, $0x38;
	[tilespmem:$0xC080] =	vst v63  }
0x6c: {  	_ =	swait.ge [sflag:s8], $0xC000  }
0x6d: {  	[sflag:s8] =	ssyncset.done $0x0  }
0x6e: {  	s2 =	sadd.s32 $0x8, s2;
	s7 =	sadd.s32 $0x1800, s7;
	[sflag:s8] =	ssyncadd.s32 $0xFFFF4000  }
0x6f: {  	s31 =	sadd.s32 $0x1, s31;
	s0 =	rddreg [dreg:$0x7]  }
0x70: {  	p0 =	sne.s32 s31, s0  }
.Ltmp1:
0x71: {  	_ = 	snop;
	(pc) =	sbr.rel @p0 .LBB2_1-.Ltmp1, $1  }
0x72: {  	_ =	sdelay $0x3  }
0x73: {  	_ =	sfence.sel $0x180000  }
0x74: {  	[bflag:$0x0] =	sbarrier.arrive $0xFFFF  }
0x75: {  	_ =	strace $0x9000004A  }
0x76: {  	s0 =	stileid.u32;
	[bflag:$0x2] =	sbarrier.arrive $0xFFFF  }
0x77: {  	p0 =	sne.s32 s0, $0x0;
	s0 =	rddreg [dreg:$0x1]  }
0x78: {  	s0 =	sadd.s32 @!p0 $0x100000, s0  }
0x79: {  	[sflag:s0] =	ssyncadd.tile.s32 @!p0 $0x1;
	_ =	shalt  }
.Lfunc_end2:
_tile_overlayer_lowered:
.L_overlay_start_2:
0x7a: {  	(tag) =	ssettag $0x2  }
0x7b: {  	s0 =	rddreg [dreg:$0x0];
	s2 =	stileid.u32  }
0x7c: {  	s1 =	rddreg [dreg:$0x1];
	p0 =	sne.s32 s2, $0x0  }
0x7d: {  	s3 =	rddreg [dreg:$0x2];
	[bflag:$0x3] =	sbarrier.arrive $0xFFFF;
	s2 =	simm.s32 @!p0 $0x1C02  }
0x7e: {  	[timem:s3], [sflag:s2] =	dma.local @!p0 [hbm:s0], s1  }
0x7f: {  	s0 =	simm.s32 @!p0 $0x2  }
0x80: {  	_ =	swait.ge @!p0 [sflag:s0], s1  }
0x81: {  	s1 =	ssub.s32 @!p0 $0x0, s1;
	[sflag:s0] =	ssyncset.done @!p0 $0x0  }
0x82: {  	[sflag:s0] =	ssyncadd.s32 @!p0 s1  }
0x83: {  	[bflag:$0x3] =	sbarrier.arrive $0xFFFF  }
0x84: {  	_ =	shalt  }

// kernel: kernel.7.cloned.1.call-start
scs
__scs_entry_jumppad:
0x0: {  	(pc) =	sbr.rel $0x88, $3  }
0x1: {  	(tag) =	ssettag $0x0;
	lr =	simm.s32 $0x1  }
0x2: {  	[smem:$0x3F99] =	sst lr;
	_ =	strace $0xD0000000  }
0x3: {  	_ = 	snop  }
0x4: {  	_ = 	snop  }
0x5: {  	_ = 	snop  }
0x6: {  	_ = 	snop  }
0x7: {  	_ = 	snop  }
__scs_overlays_trampoline_lowered:
0x8: {  	[smem:$0x3FA8] =	sst s0  }
0x9: {  	[smem:$0x3FA9] =	sst s1  }
0xa: {  	[smem:$0x3FAA] =	sst s2  }
0xb: {  	[smem:$0x3FAB] =	sst s3  }
0xc: {  	[smem:$0x3FAC] =	sst s4  }
0xd: {  	[smem:$0x3FAD] =	sst s5  }
0xe: {  	[smem:$0x3FAE] =	sst s6  }
0xf: {  	[smem:$0x3FAF] =	sst s7  }
0x10: {  	[smem:$0x3FB0] =	sst s8  }
0x11: {  	[smem:$0x3FB1] =	sst s9;
	s0 =	simm.s32 @!p0 $0x0  }
0x12: {  	s1 =	sld [smem:$0x3F97];
	s0 =	simm.s32 @p0 $0x1  }
0x13: {  	[smem:$0x3FB2] =	sst s0;
	s0 =	simm.s32 @!p1 $0x0  }
0x14: {  	s2 =	sld [smem:$0x3F96];
	s0 =	simm.s32 @p1 $0x1  }
0x15: {  	[smem:$0x3FB3] =	sst s0;
	s0 =	simm.s32 @!p2 $0x0  }
0x16: {  	s3 =	sld [smem:$0x3FDB];
	s0 =	simm.s32 @p2 $0x1  }
0x17: {  	s4 =	simm.s32 $0x1BF5;
	[smem:$0x3FB5] =	sst s0  }
0x18: {  	s0 =	sld [smem:$0x3F98];
	_ =	swait.ge [sflag:s4], $0x0  }
0x19: {  	s7 =	sld [smem:$0x3F99]  }
0x1a: {  	s8 =	sadd.s32 $0xFFFFE003, lr  }
0x1b: {  	s9 =	sadd.s32 $0xFFFFFEF7, lr;
	s5 =	simm.s32 $0xFFFFFFFF;
	p2 =	slt.u32 s8, $0xFFFFF086  }
0x1c: {  	p1 =	slt.u32 s9, $0xF7A;
	s5 =	simm.s32 @!p2 $0x0  }
0x1d: {  	s5 =	simm.s32 @p1 $0x1;
	p0 =	seq.s32 s7, s2  }
0x1e: {  	s7 =	smul.u32 @!p0 $0xF7A, s2;
	p2 =	seq.s32 @!p0 s5, $0x0  }
0x1f: {  	s9 =	smul.u32 $0xF7A, s1;
	s8 =	simm.s32 @!p0 $0x1BF5;
	p2 =	por !p2, p0  }
0x20: {  	[sflag:s8] =	ssyncset.s32 @!p0 $0xFFFFF086;
	s6 =	sadd.s32 @!p0 s3, s7;
	s7 =	simm.s32 @!p0 $0x108  }
0x21: {  	s3 =	sadd.s32 s3, s9;
	s6 =	sadd.s32 @!p0 $0x88, s6;
	s7 =	simm.s32 @p2 $0x1082  }
0x22: {  	[simem:s7], [sflag:s8] =	dma.local @!p0 [hbm:s6], $0xF7A  }
0x23: {  	s9 =	sor.u32 $0xD0000000, s2;
	s6 =	simm.s32 $0x108;
	_ =	swait.ge @!p0 [sflag:s8], $0x0  }
0x24: {  	s3 =	sadd.s32 $0x88, s3;
	s6 =	simm.s32 @!p1 $0x1082;
	[sflag:s4] =	ssyncset.s32 $0xFFFFF086  }
0x25: {  	[simem:s6], [sflag:s4] =	dma.local [hbm:s3], $0xF7A  }
0x26: {  	[smem:$0x3F99] =	sst s1;
	(tag) =	ssettag s2;
	_ =	strace s9  }
0x27: {  	s1 =	sld [smem:$0x3FA9]  }
0x28: {  	s2 =	sld [smem:$0x3FAA]  }
0x29: {  	s4 =	sld [smem:$0x3FAC]  }
0x2a: {  	p0 =	seq.s32 s5, $0x0;
	s5 =	sld [smem:$0x3FAD]  }
0x2b: {  	s6 =	sld [smem:$0x3FAE]  }
0x2c: {  	s7 =	sld [smem:$0x3FAF]  }
0x2d: {  	s3 =	simm.s32 $0x108;
	s8 =	sld [smem:$0x3FB0]  }
0x2e: {  	s3 =	simm.s32 @!p0 $0x1082;
	s9 =	sld [smem:$0x3FB1]  }
0x2f: {  	lr =	sadd.s32 s0, s3;
	s0 =	sld [smem:$0x3FA8]  }
0x30: {  	s3 =	sld [smem:$0x3FAB]  }
0x31: {  	[smem:$0x3FB4] =	sst s10  }
0x32: {  	s10 =	sld [smem:$0x3FB2];
	_ =	sdelay $0x3  }
0x33: {  	p0 =	seq.s32 s10, $0x1;
	s10 =	sld [smem:$0x3FB4];
	_ =	sdelay $0x3  }
0x34: {  	[smem:$0x3FB4] =	sst s10  }
0x35: {  	s10 =	sld [smem:$0x3FB3];
	_ =	sdelay $0x3  }
0x36: {  	p1 =	seq.s32 s10, $0x1;
	s10 =	sld [smem:$0x3FB4];
	_ =	sdelay $0x3  }
0x37: {  	[smem:$0x3FB4] =	sst s10  }
0x38: {  	s10 =	sld [smem:$0x3FB5]  }
0x39: {  	_ = 	snop;
	(pc) =	sbr.ind lr, $3  }
0x3a: {  	_ = 	snop  }
0x3b: {  	_ = 	snop  }
0x3c: {  	p2 =	seq.s32 s10, $0x1;
	s10 =	sld [smem:$0x3FB4]  }
0x3d: {  	_ =	shalt  }
0x3e: {  	_ =	shalt  }
0x3f: {  	_ =	shalt  }
0x40: {  	_ =	shalt  }
0x41: {  	_ =	shalt  }
0x42: {  	_ =	shalt  }
0x43: {  	_ =	shalt  }
0x44: {  	_ =	shalt  }
0x45: {  	_ =	shalt  }
0x46: {  	_ =	shalt  }
0x47: {  	_ =	shalt  }
0x48: {  	_ =	shalt  }
0x49: {  	_ =	shalt  }
0x4a: {  	_ =	shalt  }
0x4b: {  	_ =	shalt  }
0x4c: {  	_ =	shalt  }
0x4d: {  	_ =	shalt  }
0x4e: {  	_ =	shalt  }
0x4f: {  	_ =	shalt  }
0x50: {  	_ =	shalt  }
0x51: {  	_ =	shalt  }
0x52: {  	_ =	shalt  }
0x53: {  	_ =	shalt  }
0x54: {  	_ =	shalt  }
0x55: {  	_ =	shalt  }
0x56: {  	_ =	shalt  }
0x57: {  	_ =	shalt  }
0x58: {  	_ =	shalt  }
0x59: {  	_ =	shalt  }
0x5a: {  	_ =	shalt  }
0x5b: {  	_ =	shalt  }
0x5c: {  	_ =	shalt  }
0x5d: {  	_ =	shalt  }
0x5e: {  	_ =	shalt  }
0x5f: {  	_ =	shalt  }
0x60: {  	_ =	shalt  }
0x61: {  	_ =	shalt  }
0x62: {  	_ =	shalt  }
0x63: {  	_ =	shalt  }
0x64: {  	_ =	shalt  }
0x65: {  	_ =	shalt  }
0x66: {  	_ =	shalt  }
0x67: {  	_ =	shalt  }
0x68: {  	_ =	shalt  }
0x69: {  	_ =	shalt  }
0x6a: {  	_ =	shalt  }
0x6b: {  	_ =	shalt  }
0x6c: {  	_ =	shalt  }
0x6d: {  	_ =	shalt  }
0x6e: {  	_ =	shalt  }
0x6f: {  	_ =	shalt  }
0x70: {  	_ =	shalt  }
0x71: {  	_ =	shalt  }
0x72: {  	_ =	shalt  }
0x73: {  	_ =	shalt  }
0x74: {  	_ =	shalt  }
0x75: {  	_ =	shalt  }
0x76: {  	_ =	shalt  }
0x77: {  	_ =	shalt  }
0x78: {  	_ =	shalt  }
0x79: {  	_ =	shalt  }
0x7a: {  	_ =	shalt  }
0x7b: {  	_ =	shalt  }
0x7c: {  	_ =	shalt  }
0x7d: {  	_ =	shalt  }
0x7e: {  	_ =	shalt  }
0x7f: {  	_ =	shalt  }
0x80: {  	_ =	shalt  }
0x81: {  	_ =	shalt  }
0x82: {  	_ =	shalt  }
0x83: {  	_ =	shalt  }
0x84: {  	_ =	shalt  }
0x85: {  	_ =	shalt  }
0x86: {  	_ =	shalt  }
0x87: {  	_ =	shalt  }
.Lfunc_end0:
.L_simem_size_0:
called_computation_lowered:
.L_overlay_start_0:
0x88: {  	s2 =	sld [smem:$0x3FD9]  }
0x89: {  	s3 =	sld [smem:$0x3FFE];
	_ =	sdelay $0x1  }
0x8a: {  	s1 =	srdreg.scid  }
0x8b: {  	s0 =	sand.u32 $0x1, s1  }
0x8c: {  	s17 =	sshll.u32 s0, $0xA;
	s2 =	sadd.s32 s3, s2  }
0x8d: {  	s2 =	sadd.s32 s2, s17  }
0x8e: {  	[smem:$0x3FC0] =	sst s2  }
0x8f: {  	_ = 	snop  }
0x90: {  	s2 =	sld [smem:$0x3FC9];
	(tm) =	ssettm $0x1  }
0x91: {  	s18 =	sld [smem:$0x3FFB];
	_ =	sdelay $0x3  }
0x92: {  	_ =	strace s18  }
0x93: {  	s3 =	sld [smem:$0x3FFC];
	_ =	sdelay $0x3  }
0x94: {  	_ =	strace s3  }
0x95: {  	s3 =	sld [smem:$0x3FFD];
	_ =	sdelay $0x3  }
0x96: {  	_ =	strace s3  }
0x97: {  	_ =	strace $0x8FFFFFFF  }
0x98: {  	s19 =	sld [smem:$0x3FDB];
	_ =	sdelay $0x1  }
0x99: {  	s4 =	simm.s32 $_scs_section_size  }
0x9a: {  	s5 =	simm.s32 $_size__tile_overlayer_lowered;
	s6 =	simm.s32 $_tile_overlayer_lowered  }
0x9b: {  	s22 =	simm.s32 $0x1BFF;
	s21 =	sshll.u32 s6, $0x1;
	s3 =	sadd.s32 s4, s19  }
0x9c: {  	s7 =	simm.s32 $0x0;
	s20 =	sshll.u32 s5, $0x1;
	s5 =	sadd.s32 s21, s3  }
0x9d: {  	[timem:s7], [sflag:s22] =	dma.local [hbm:s5], s20  }
0x9e: {  	_ =	swait.ge [sflag:s22], s20  }
0x9f: {  	s4 =	ssub.s32 $0x0, s20;
	[sflag:s22] =	ssyncset.done $0x0  }
0xa0: {  	[sflag:s22] =	ssyncadd.s32 s4;
	_ =	sdelay $0x1  }
0xa1: {  	s23 =	simm.s32 $0x1B8B  }
0xa2: {  	_ =	swait.ge [sflag:s23], $0x1  }
0xa3: {  	[sflag:s23] =	ssyncset.done $0x0  }
0xa4: {  	s25 =	simm.s32 $0x1B8E;
	s24 =	sld [smem:$0x3FFE];
	[sflag:s23] =	ssyncadd.s32 $0xFFFFFFFF  }
0xa5: {  	s26 =	simm.s32 $execute0_lowered;
	[smem:$0x3FD2] =	sst s25  }
0xa6: {  	s5 =	sshll.u32 s26, $0x1;
	_ =	strace $0x80000046;
	[dreg:$0x1] =	wrdreg $0xFFFFFFFF  }
0xa7: {  	s28 =	simm.s32 $_size_execute0_lowered;
	s3 =	sadd.s32 s3, s5;
	[dreg:$0x0] =	wrdreg $0x0  }
0xa8: {  	s5 =	sshll.u32 s28, $0x1;
	[dreg:$0x2] =	wrdreg s3  }
0xa9: {  	[dreg:$0x3] =	wrdreg s5  }
0xaa: {  	[dreg:$0x4] =	wrdreg $0xC0  }
0xab: {  	_ =	task [dreg:s7], $0x5FFFF  }
0xac: {  	[dreg:$0x1] =	wrdreg $0xFFFFFFFF  }
0xad: {  	[dreg:$0x0] =	wrdreg $0x60  }
0xae: {  	[dreg:$0x2] =	wrdreg s2  }
0xaf: {  	[dreg:$0x3] =	wrdreg s24  }
0xb0: {  	[dreg:$0x4] =	wrdreg $0x9  }
0xb1: {  	_ =	task.clear_ibuf [dreg:s7], $0x5FFFF;
	_ =	strace $0x90000046  }
0xb2: {  	s29 =	simm.s32 $0x9;
	_ =	strace $0x80000048  }
0xb3: {  	_ =	swait.ge [sflag:s29], $0x1  }
0xb4: {  	[sflag:s29] =	ssyncadd.s32 $0xFFFFFFFF  }
0xb5: {  	_ =	strace $0x90000048  }
0xb6: {  	_ =	sfence  }
0xb7: {  	s30 =	sld [smem:$0x0];
	_ =	sdelay $0x2  }
0xb8: {  	s31 =	sshll.u32 s1, $0xD;
	s1 =	sshrl.u32 s1, $0x2  }
0xb9: {  	s3 =	sand.u32 $0x4000, s31;
	s1 =	sadd.s32 s1, s30  }
0xba: {  	s0 =	sor.u32 s3, s0;
	s1 =	sshll.u32 s1, $0x11  }
0xbb: {  	s0 =	sor.u32 s1, s0  }
0xbc: {  	s0 =	sadd.s32 $0x8F2B, s0  }
0xbd: {  	[sflag:s0] =	ssyncadd.remote.s32 $0x1  }
0xbe: {  	_ =	sfence.sel $0xFFFF  }
0xbf: {  	[dreg:$0x0] =	wrdreg $0xFFFFFFFF;
	(pc) =	sbr.abs _section_cstart, $3  }
0xc0: {  	[dreg:$0x1] =	wrdreg $0xFFFFFFFF  }
0xc1: {  	_ =	task.clear_ibuf [dreg:s7], $0x2FFFF;
	_ =	strace $0x9FFFFFFF  }
0xc2: {  	(tm) =	ssettm $0x7FFFFFFF  }
0xc3: {  	_ =	shalt  }
tec
execute0_lowered:
.L_overlay_start_1:
0x0: {  	(tag) =	ssettag $0x1  }
0x1: {  	s1 =	rddreg [dreg:$0x0]  }
0x2: {  	s0 =	rddreg [dreg:$0x1]  }
0x3: {  	s2 =	srdreg.scid;
	s3 =	simm.s32 $0x0;
	s4 =	stileid.u32  }
0x4: {  	s10 =	simm.s32 $0x2;
	s26 =	simm.s32 $0x80;
	s19 =	simm.s32 $0x4100  }
0x5: {  	s20 =	simm.s32 $0x4900;
	s21 =	simm.s32 $0x5100;
	s22 =	simm.s32 $0x5900  }
0x6: {  	s23 =	simm.s32 $0x6100;
	s28 =	simm.s32 $0x8100;
	s29 =	simm.s32 $0x8900  }
0x7: {  	s30 =	simm.s32 $0x9100;
	s31 =	simm.s32 $0x9900;
	s11 =	simm.s32 $0xB900  }
0x8: {  	s12 =	simm.s32 $0x1;
	s14 =	simm.s32 $0x0;
	s2 =	sand.u32 $0x1, s2  }
0x9: {  	[smem:$0x7FF] =	sst s3;
	s4 =	sshll.u32 s4, $0x6;
	s8 =	sadd.s32 $0x23000, s0  }
0xa: {  	s5 =	ssub.s32 $0x2, s2;
	_ =	strace $0x80000047;
	s7 =	sadd.s32 s4, s0  }
0xb: {  	s4 =	sadd.s32 $0x22E00, s0;
	s2 =	sshll.u32 s2, $0x5;
	[dreg:$0x5] =	wrdreg s26  }
0xc: {  	s26 =	simm.s32 $0x7900;
	s6 =	sshrl.u32 s5, $0x1;
	s2 =	sadd.s32 s2, s7  }
0xd: {  	s7 =	sadd.s32 $0x22F00, s0;
	s0 =	simm.s32 $0xA100;
	s9 =	ssub.s32 s5, s6  }
0xe: {  	s5 =	sadd.s32 $0x100, s1;
	s6 =	sadd.s32 $0x200, s1;
	s24 =	sadd.s32 $0x22600, s2  }
0xf: {  	v2 =	vlaneseq.u32;
	s25 =	sadd.s32 $0x22A00, s2;
	s2 =	simm.s32 $0xA900;
	[dreg:$0x3] =	wrdreg s24  }
0x10: {  	vm0 =	vmmov $0xffff;
	v1 =	vshrl.u32 v2, $0x3;
	s9 =	smax.u32 s9, $0x1;
	[dreg:$0x4] =	wrdreg s25;
	s24 =	simm.s32 $0x6900  }
0x11: {  	v0 =	vand.u32 $0x7, v2;
	v2 =	vor.u32 $0x8, v2;
	v1 =	vmul.u32 $0x8, v1;
	s25 =	simm.s32 $0x7100;
	[dreg:$0x6] =	wrdreg s9;
	s9 =	simm.s32 $0xB100  }
.LBB2_1:
0x12: {  	[dreg:$0x7] =	wrdreg s14;
	s13 =	simm.s32 $0x0  }
.LBB2_2:
0x13: {  	s14 =	rddreg [dreg:$0x4]  }
0x14: {  	s14 =	sadd.s32 s13, s14  }
0x15: {  	[tilespmem:s3], [sflag:$0x2] =	stream.linear.gather [hbm4b:s14+s3], $0x40, $0x38;
	[tilespmem:$0xC100] =	vst v63  }
0x16: {  	_ =	swait.ge [sflag:s10], $0x40  }
0x17: {  	s14 =	rddreg [dreg:$0x3];
	[sflag:s10] =	ssyncset.done $0x0  }
0x18: {  	s15 =	rddreg [dreg:$0x5];
	[sflag:s10] =	ssyncadd.s32 $0xFFFFFFC0;
	s14 =	sadd.s32 s13, s14  }
0x19: {  	[tilespmem:s15], [sflag:$0x2] =	stream.linear.gather [hbm4b:s14+s3], $0x40, $0x38;
	[tilespmem:$0xC100] =	vst v63  }
0x1a: {  	_ =	swait.ge [sflag:s10], $0x40  }
0x1b: {  	[sflag:s10] =	ssyncset.done $0x0  }
0x1c: {  	[sflag:s10] =	ssyncadd.s32 $0xFFFFFFC0  }
0x1d: {  	v3 =	vld [tilespmem:$0x0];
	_ =	sdelay $0x4  }
0x1e: {  	v4 =	vshrl.u32 v3, $0x3  }
0x1f: {  	v4 =	vmul.u32 $0x30, v4  }
0x20: {  	v3 =	vand.u32 $0x7, v3  }
0x21: {  	v3 =	vor.u32 v3, v4  }
0x22: {  	v4 =	vperm.xlane v3, v0;
	_ =	sdelay $0x1  }
0x23: {  	v4 =	vadd.s32 v1, v4;
	_ =	sdelay $0x3  }
0x24: {  	s14 =	simm.s32 $0x100;
	v3 =	vperm.xlane v3, v2  }
0x25: {  	[tilespmem:s14], [sflag:$0x1] =	stream.indirect_vreg.gather [hbm4b:s1+s3], $0x80, v4, vm0, $0xb8;
	[tilespmem:$0xC100] =	vst v63  }
0x26: {  	s15 =	simm.s32 $0x900;
	v3 =	vadd.s32 v1, v3  }
0x27: {  	[tilespmem:s15], [sflag:$0x1] =	stream.indirect_vreg.gather [hbm4b:s5+s3], $0x80, v4, vm0, $0xb8;
	[tilespmem:$0xC100] =	vst v63  }
0x28: {  	s16 =	simm.s32 $0x1100  }
0x29: {  	[tilespmem:s16], [sflag:$0x1] =	stream.indirect_vreg.gather [hbm4b:s6+s3], $0x80, v4, vm0, $0xb8;
	[tilespmem:$0xC100] =	vst v63  }
0x2a: {  	s16 =	simm.s32 $0x1900  }
0x2b: {  	[tilespmem:s16], [sflag:$0x1] =	stream.indirect_vreg.gather [hbm4b:s1+s3], $0x80, v3, vm0, $0xb8;
	[tilespmem:$0xC100] =	vst v63  }
0x2c: {  	s17 =	simm.s32 $0x2100  }
0x2d: {  	[tilespmem:s17], [sflag:$0x1] =	stream.indirect_vreg.gather [hbm4b:s5+s3], $0x80, v3, vm0, $0xb8;
	[tilespmem:$0xC100] =	vst v63  }
0x2e: {  	s17 =	simm.s32 $0x2900  }
0x2f: {  	[tilespmem:s17], [sflag:$0x1] =	stream.indirect_vreg.gather [hbm4b:s6+s3], $0x80, v3, vm0, $0xb8;
	[tilespmem:$0xC100] =	vst v63  }
0x30: {  	v3 =	vld [tilespmem:$0x10];
	_ =	sdelay $0x4  }
0x31: {  	v57 =	vshrl.u32 v3, $0x3  }
0x32: {  	v4 =	vmul.u32 $0x30, v57  }
0x33: {  	v3 =	vand.u32 $0x7, v3  }
0x34: {  	v3 =	vor.u32 v3, v4  }
0x35: {  	v4 =	vperm.xlane v3, v0;
	_ =	sdelay $0x1  }
0x36: {  	v4 =	vadd.s32 v1, v4;
	_ =	sdelay $0x3  }
0x37: {  	s18 =	simm.s32 $0x3100;
	v3 =	vperm.xlane v3, v2  }
0x38: {  	[tilespmem:s18], [sflag:$0x1] =	stream.indirect_vreg.gather [hbm4b:s1+s3], $0x80, v4, vm0, $0xb8;
	[tilespmem:$0xC100] =	vst v63  }
0x39: {  	v3 =	vadd.s32 v1, v3;
	s18 =	simm.s32 $0x3900  }
0x3a: {  	[tilespmem:s18], [sflag:$0x1] =	stream.indirect_vreg.gather [hbm4b:s5+s3], $0x80, v4, vm0, $0xb8;
	[tilespmem:$0xC100] =	vst v63  }
0x3b: {  	_ = 	snop  }
0x3c: {  	[tilespmem:s19], [sflag:$0x1] =	stream.indirect_vreg.gather [hbm4b:s6+s3], $0x80, v4, vm0, $0xb8;
	[tilespmem:$0xC100] =	vst v63  }
0x3d: {  	_ = 	snop  }
0x3e: {  	[tilespmem:s20], [sflag:$0x1] =	stream.indirect_vreg.gather [hbm4b:s1+s3], $0x80, v3, vm0, $0xb8;
	[tilespmem:$0xC100] =	vst v63  }
0x3f: {  	_ = 	snop  }
0x40: {  	[tilespmem:s21], [sflag:$0x1] =	stream.indirect_vreg.gather [hbm4b:s5+s3], $0x80, v3, vm0, $0xb8;
	[tilespmem:$0xC100] =	vst v63  }
0x41: {  	_ = 	snop  }
0x42: {  	[tilespmem:s22], [sflag:$0x1] =	stream.indirect_vreg.gather [hbm4b:s6+s3], $0x80, v3, vm0, $0xb8;
	[tilespmem:$0xC100] =	vst v63  }
0x43: {  	v3 =	vld [tilespmem:$0x20];
	_ =	sdelay $0x4  }
0x44: {  	v58 =	vshrl.u32 v3, $0x3  }
0x45: {  	v4 =	vmul.u32 $0x30, v58  }
0x46: {  	v3 =	vand.u32 $0x7, v3  }
0x47: {  	v3 =	vor.u32 v3, v4  }
0x48: {  	v4 =	vperm.xlane v3, v0;
	_ =	sdelay $0x1  }
0x49: {  	v4 =	vadd.s32 v1, v4;
	_ =	sdelay $0x3  }
0x4a: {  	v3 =	vperm.xlane v3, v2  }
0x4b: {  	[tilespmem:s23], [sflag:$0x1] =	stream.indirect_vreg.gather [hbm4b:s1+s3], $0x80, v4, vm0, $0xb8;
	[tilespmem:$0xC100] =	vst v63  }
0x4c: {  	v3 =	vadd.s32 v1, v3  }
0x4d: {  	[tilespmem:s24], [sflag:$0x1] =	stream.indirect_vreg.gather [hbm4b:s5+s3], $0x80, v4, vm0, $0xb8;
	[tilespmem:$0xC100] =	vst v63  }
0x4e: {  	_ = 	snop  }
0x4f: {  	[tilespmem:s25], [sflag:$0x1] =	stream.indirect_vreg.gather [hbm4b:s6+s3], $0x80, v4, vm0, $0xb8;
	[tilespmem:$0xC100] =	vst v63  }
0x50: {  	_ = 	snop  }
0x51: {  	[tilespmem:s26], [sflag:$0x1] =	stream.indirect_vreg.gather [hbm4b:s1+s3], $0x80, v3, vm0, $0xb8;
	[tilespmem:$0xC100] =	vst v63  }
0x52: {  	_ = 	snop  }
0x53: {  	[tilespmem:s28], [sflag:$0x1] =	stream.indirect_vreg.gather [hbm4b:s5+s3], $0x80, v3, vm0, $0xb8;
	[tilespmem:$0xC100] =	vst v63  }
0x54: {  	_ = 	snop  }
0x55: {  	[tilespmem:s29], [sflag:$0x1] =	stream.indirect_vreg.gather [hbm4b:s6+s3], $0x80, v3, vm0, $0xb8;
	[tilespmem:$0xC100] =	vst v63  }
0x56: {  	v3 =	vld [tilespmem:$0x30];
	_ =	sdelay $0x4  }
0x57: {  	v59 =	vshrl.u32 v3, $0x3  }
0x58: {  	v4 =	vmul.u32 $0x30, v59  }
0x59: {  	v3 =	vand.u32 $0x7, v3  }
0x5a: {  	v3 =	vor.u32 v3, v4  }
0x5b: {  	v4 =	vperm.xlane v3, v0;
	_ =	sdelay $0x1  }
0x5c: {  	v4 =	vadd.s32 v1, v4;
	_ =	sdelay $0x3  }
0x5d: {  	v3 =	vperm.xlane v3, v2  }
0x5e: {  	[tilespmem:s30], [sflag:$0x1] =	stream.indirect_vreg.gather [hbm4b:s1+s3], $0x80, v4, vm0, $0xb8;
	[tilespmem:$0xC100] =	vst v63  }
0x5f: {  	v3 =	vadd.s32 v1, v3  }
0x60: {  	[tilespmem:s31], [sflag:$0x1] =	stream.indirect_vreg.gather [hbm4b:s5+s3], $0x80, v4, vm0, $0xb8;
	[tilespmem:$0xC100] =	vst v63  }
0x61: {  	_ = 	snop  }
0x62: {  	[tilespmem:s0], [sflag:$0x1] =	stream.indirect_vreg.gather [hbm4b:s6+s3], $0x80, v4, vm0, $0xb8;
	[tilespmem:$0xC100] =	vst v63  }
0x63: {  	_ = 	snop  }
0x64: {  	[tilespmem:s2], [sflag:$0x1] =	stream.indirect_vreg.gather [hbm4b:s1+s3], $0x80, v3, vm0, $0xb8;
	[tilespmem:$0xC100] =	vst v63  }
0x65: {  	_ = 	snop  }
0x66: {  	[tilespmem:s9], [sflag:$0x1] =	stream.indirect_vreg.gather [hbm4b:s5+s3], $0x80, v3, vm0, $0xb8;
	[tilespmem:$0xC100] =	vst v63  }
0x67: {  	_ = 	snop  }
0x68: {  	[tilespmem:s11], [sflag:$0x1] =	stream.indirect_vreg.gather [hbm4b:s6+s3], $0x80, v3, vm0, $0xb8;
	[tilespmem:$0xC100] =	vst v63  }
0x69: {  	_ =	swait.ge [sflag:s12], $0xC000  }
0x6a: {  	[sflag:s12] =	ssyncset.done $0x0  }
0x6b: {  	[sflag:s12] =	ssyncadd.s32 $0xFFFF4000  }
0x6c: {  	v3 =	vld [tilespmem:$0x80];
	_ =	sdelay $0x4  }
0x6d: {  	v60 =	vshrl.u32 v3, $0x3  }
0x6e: {  	v4 =	vmul.u32 $0x30, v60  }
0x6f: {  	v3 =	vand.u32 $0x7, v3  }
0x70: {  	v3 =	vor.u32 v3, v4  }
0x71: {  	v4 =	vperm.xlane v3, v0;
	_ =	sdelay $0x1  }
0x72: {  	v4 =	vadd.s32 v1, v4;
	_ =	sdelay $0x3  }
0x73: {  	v3 =	vperm.xlane v3, v2  }
0x74: {  	[hbm4b:s4+s3] =	stream.indirect_vreg.scatter [tilespmem:s14], [sflag:$0x1], $0x80, v4, vm0, $0xb8;
	[tilespmem:$0xC100] =	vst v63  }
0x75: {  	v3 =	vadd.s32 v1, v3  }
0x76: {  	[hbm4b:s7+s3] =	stream.indirect_vreg.scatter [tilespmem:s15], [sflag:$0x1], $0x80, v4, vm0, $0xb8;
	[tilespmem:$0xC100] =	vst v63  }
0x77: {  	s14 =	simm.s32 $0x1100  }
0x78: {  	[hbm4b:s8+s3] =	stream.indirect_vreg.scatter [tilespmem:s14], [sflag:$0x1], $0x80, v4, vm0, $0xb8;
	[tilespmem:$0xC100] =	vst v63  }
0x79: {  	_ = 	snop  }
0x7a: {  	[hbm4b:s4+s3] =	stream.indirect_vreg.scatter [tilespmem:s16], [sflag:$0x1], $0x80, v3, vm0, $0xb8;
	[tilespmem:$0xC100] =	vst v63  }
0x7b: {  	s15 =	simm.s32 $0x2100  }
0x7c: {  	[hbm4b:s7+s3] =	stream.indirect_vreg.scatter [tilespmem:s15], [sflag:$0x1], $0x80, v3, vm0, $0xb8;
	[tilespmem:$0xC100] =	vst v63  }
0x7d: {  	_ = 	snop  }
0x7e: {  	[hbm4b:s8+s3] =	stream.indirect_vreg.scatter [tilespmem:s17], [sflag:$0x1], $0x80, v3, vm0, $0xb8;
	[tilespmem:$0xC100] =	vst v63  }
0x7f: {  	v3 =	vld [tilespmem:$0x90];
	_ =	sdelay $0x4  }
0x80: {  	v61 =	vshrl.u32 v3, $0x3  }
0x81: {  	v4 =	vmul.u32 $0x30, v61  }
0x82: {  	v3 =	vand.u32 $0x7, v3  }
0x83: {  	v3 =	vor.u32 v3, v4  }
0x84: {  	v4 =	vperm.xlane v3, v0;
	_ =	sdelay $0x1  }
0x85: {  	v4 =	vadd.s32 v1, v4;
	_ =	sdelay $0x3  }
0x86: {  	s16 =	simm.s32 $0x3100;
	v3 =	vperm.xlane v3, v2  }
0x87: {  	[hbm4b:s4+s3] =	stream.indirect_vreg.scatter [tilespmem:s16], [sflag:$0x1], $0x80, v4, vm0, $0xb8;
	[tilespmem:$0xC100] =	vst v63  }
0x88: {  	v3 =	vadd.s32 v1, v3  }
0x89: {  	[hbm4b:s7+s3] =	stream.indirect_vreg.scatter [tilespmem:s18], [sflag:$0x1], $0x80, v4, vm0, $0xb8;
	[tilespmem:$0xC100] =	vst v63  }
0x8a: {  	_ = 	snop  }
0x8b: {  	[hbm4b:s8+s3] =	stream.indirect_vreg.scatter [tilespmem:s19], [sflag:$0x1], $0x80, v4, vm0, $0xb8;
	[tilespmem:$0xC100] =	vst v63  }
0x8c: {  	_ = 	snop  }
0x8d: {  	[hbm4b:s4+s3] =	stream.indirect_vreg.scatter [tilespmem:s20], [sflag:$0x1], $0x80, v3, vm0, $0xb8;
	[tilespmem:$0xC100] =	vst v63  }
0x8e: {  	_ = 	snop  }
0x8f: {  	[hbm4b:s7+s3] =	stream.indirect_vreg.scatter [tilespmem:s21], [sflag:$0x1], $0x80, v3, vm0, $0xb8;
	[tilespmem:$0xC100] =	vst v63  }
0x90: {  	_ = 	snop  }
0x91: {  	[hbm4b:s8+s3] =	stream.indirect_vreg.scatter [tilespmem:s22], [sflag:$0x1], $0x80, v3, vm0, $0xb8;
	[tilespmem:$0xC100] =	vst v63  }
0x92: {  	v3 =	vld [tilespmem:$0xA0];
	_ =	sdelay $0x4  }
0x93: {  	v62 =	vshrl.u32 v3, $0x3  }
0x94: {  	v4 =	vmul.u32 $0x30, v62  }
0x95: {  	v3 =	vand.u32 $0x7, v3  }
0x96: {  	v3 =	vor.u32 v3, v4  }
0x97: {  	v4 =	vperm.xlane v3, v0;
	_ =	sdelay $0x1  }
0x98: {  	v4 =	vadd.s32 v1, v4;
	_ =	sdelay $0x3  }
0x99: {  	v3 =	vperm.xlane v3, v2  }
0x9a: {  	[hbm4b:s4+s3] =	stream.indirect_vreg.scatter [tilespmem:s23], [sflag:$0x1], $0x80, v4, vm0, $0xb8;
	[tilespmem:$0xC100] =	vst v63  }
0x9b: {  	v3 =	vadd.s32 v1, v3  }
0x9c: {  	[hbm4b:s7+s3] =	stream.indirect_vreg.scatter [tilespmem:s24], [sflag:$0x1], $0x80, v4, vm0, $0xb8;
	[tilespmem:$0xC100] =	vst v63  }
0x9d: {  	_ = 	snop  }
0x9e: {  	[hbm4b:s8+s3] =	stream.indirect_vreg.scatter [tilespmem:s25], [sflag:$0x1], $0x80, v4, vm0, $0xb8;
	[tilespmem:$0xC100] =	vst v63  }
0x9f: {  	_ = 	snop  }
0xa0: {  	[hbm4b:s4+s3] =	stream.indirect_vreg.scatter [tilespmem:s26], [sflag:$0x1], $0x80, v3, vm0, $0xb8;
	[tilespmem:$0xC100] =	vst v63  }
0xa1: {  	_ = 	snop  }
0xa2: {  	[hbm4b:s7+s3] =	stream.indirect_vreg.scatter [tilespmem:s28], [sflag:$0x1], $0x80, v3, vm0, $0xb8;
	[tilespmem:$0xC100] =	vst v63  }
0xa3: {  	_ = 	snop  }
0xa4: {  	[hbm4b:s8+s3] =	stream.indirect_vreg.scatter [tilespmem:s29], [sflag:$0x1], $0x80, v3, vm0, $0xb8;
	[tilespmem:$0xC100] =	vst v63  }
0xa5: {  	v3 =	vld [tilespmem:$0xB0];
	_ =	sdelay $0x4  }
0xa6: {  	v63 =	vshrl.u32 v3, $0x3  }
0xa7: {  	v4 =	vmul.u32 $0x30, v63  }
0xa8: {  	v3 =	vand.u32 $0x7, v3  }
0xa9: {  	v3 =	vor.u32 v3, v4  }
0xaa: {  	v4 =	vperm.xlane v3, v0;
	_ =	sdelay $0x1  }
0xab: {  	v4 =	vadd.s32 v1, v4;
	_ =	sdelay $0x3  }
0xac: {  	v3 =	vperm.xlane v3, v2  }
0xad: {  	[hbm4b:s4+s3] =	stream.indirect_vreg.scatter [tilespmem:s30], [sflag:$0x1], $0x80, v4, vm0, $0xb8;
	[tilespmem:$0xC100] =	vst v63  }
0xae: {  	v3 =	vadd.s32 v1, v3  }
0xaf: {  	[hbm4b:s7+s3] =	stream.indirect_vreg.scatter [tilespmem:s31], [sflag:$0x1], $0x80, v4, vm0, $0xb8;
	[tilespmem:$0xC100] =	vst v63  }
0xb0: {  	_ = 	snop  }
0xb1: {  	[hbm4b:s8+s3] =	stream.indirect_vreg.scatter [tilespmem:s0], [sflag:$0x1], $0x80, v4, vm0, $0xb8;
	[tilespmem:$0xC100] =	vst v63  }
0xb2: {  	_ = 	snop  }
0xb3: {  	[hbm4b:s4+s3] =	stream.indirect_vreg.scatter [tilespmem:s2], [sflag:$0x1], $0x80, v3, vm0, $0xb8;
	[tilespmem:$0xC100] =	vst v63  }
0xb4: {  	p0 =	sne.s32 s13, $0x18  }
0xb5: {  	[hbm4b:s7+s3] =	stream.indirect_vreg.scatter [tilespmem:s9], [sflag:$0x1], $0x80, v3, vm0, $0xb8;
	[tilespmem:$0xC100] =	vst v63  }
.Ltmp0:
0xb6: {  	_ = 	snop;
	(pc) =	sbr.rel @p0 .LBB2_2-.Ltmp0, $4  }
0xb7: {  	[hbm4b:s8+s3] =	stream.indirect_vreg.scatter [tilespmem:s11], [sflag:$0x1], $0x80, v3, vm0, $0xb8;
	[tilespmem:$0xC100] =	vst v63  }
0xb8: {  	_ =	swait.ge [sflag:s12], $0xC000  }
0xb9: {  	[sflag:s12] =	ssyncset.done $0x0  }
0xba: {  	s13 =	sadd.s32 $0x8, s13;
	[sflag:s12] =	ssyncadd.s32 $0xFFFF4000  }
0xbb: {  	s14 =	rddreg [dreg:$0x7]  }
0xbc: {  	s13 =	rddreg [dreg:$0x6];
	s14 =	sadd.s32 $0x1, s14  }
0xbd: {  	p0 =	sne.s32 s14, s13  }
.Ltmp1:
0xbe: {  	_ = 	snop;
	(pc) =	sbr.rel @p0 .LBB2_1-.Ltmp1, $1  }
0xbf: {  	_ =	sdelay $0x3  }
0xc0: {  	_ =	sfence.sel $0x180000  }
0xc1: {  	[bflag:$0x0] =	sbarrier.arrive $0xFFFF  }
0xc2: {  	_ =	strace $0x90000047  }
0xc3: {  	s0 =	stileid.u32;
	[bflag:$0x2] =	sbarrier.arrive $0xFFFF  }
0xc4: {  	p0 =	sne.s32 s0, $0x0;
	s0 =	rddreg [dreg:$0x2]  }
0xc5: {  	s0 =	sadd.s32 @!p0 $0x100000, s0  }
0xc6: {  	[sflag:s0] =	ssyncadd.tile.s32 @!p0 $0x1;
	_ =	shalt  }
.Lfunc_end2:
_tile_overlayer_lowered:
.L_overlay_start_2:
0xc7: {  	(tag) =	ssettag $0x2  }
0xc8: {  	s0 =	rddreg [dreg:$0x0];
	s2 =	stileid.u32  }
0xc9: {  	s1 =	rddreg [dreg:$0x1];
	p0 =	sne.s32 s2, $0x0  }
0xca: {  	s3 =	rddreg [dreg:$0x2];
	[bflag:$0x3] =	sbarrier.arrive $0xFFFF;
	s2 =	simm.s32 @!p0 $0x1C02  }
0xcb: {  	[timem:s3], [sflag:s2] =	dma.local @!p0 [hbm:s0], s1  }
0xcc: {  	s0 =	simm.s32 @!p0 $0x2  }
0xcd: {  	_ =	swait.ge @!p0 [sflag:s0], s1  }
0xce: {  	s1 =	ssub.s32 @!p0 $0x0, s1;
	[sflag:s0] =	ssyncset.done @!p0 $0x0  }
0xcf: {  	[sflag:s0] =	ssyncadd.s32 @!p0 s1  }
0xd0: {  	[bflag:$0x3] =	sbarrier.arrive $0xFFFF  }
0xd1: {  	_ =	shalt  }

</sc_bundles>
